<compile_context>
chip_gen: v7x
topology: tpu7x:2x2x1
jax: 0.10.2.dev20260603
libtpu: 0.0.44.dev20260713+nightly
codegen_flags: <defaults>
</compile_context>

<pallas_src>
import functools

import jax
import jax.numpy as jnp
from jax import lax
from jax.experimental import pallas as pl
from jax.experimental.pallas import tpu as pltpu
from jax.experimental.pallas import tpu_sc as plsc

DIM = 16
BATCH = 16384

_INFO = plsc.get_sparse_core_info()
NC = _INFO.num_cores
NS = _INFO.num_subcores
L = _INFO.num_lanes
NW = NC * NS
BPW = BATCH // NW
CH = 128
NCH = BPW // CH
GROUPS = BPW // L


def _cosine_body(e_id_hbm, o_id_hbm, mentees_hbm, mentors_hbm, out_hbm,
                 eidx_v, oidx_v, erows_v, orows_v, out_v, sem):
    wid = lax.axis_index("s") * NC + lax.axis_index("c")
    base = wid * BPW

    pltpu.sync_copy(e_id_hbm.at[wid], eidx_v)
    pltpu.sync_copy(o_id_hbm.at[wid], oidx_v)

    copies = []
    for j in range(NCH):
        copies.append(pltpu.async_copy(
            mentees_hbm.at[eidx_v.at[j]], erows_v.at[pl.ds(j * CH, CH)], sem))
        copies.append(pltpu.async_copy(
            mentors_hbm.at[oidx_v.at[j]], orows_v.at[pl.ds(j * CH, CH)], sem))
    for c in copies:
        c.wait()

    lanes = lax.iota(jnp.int32, L)

    def group(g, carry):
        row = lanes + g * L
        acc_eo = jnp.zeros((L,), jnp.float32)
        acc_ee = jnp.zeros((L,), jnp.float32)
        acc_oo = jnp.zeros((L,), jnp.float32)
        for d in range(DIM):
            dcol = jnp.full((L,), d, jnp.int32)
            ev = plsc.load_gather(erows_v, [row, dcol])
            ov = plsc.load_gather(orows_v, [row, dcol])
            acc_eo = acc_eo + ev * ov
            acc_ee = acc_ee + ev * ev
            acc_oo = acc_oo + ov * ov
        denom = acc_ee * acc_oo
        seed = jnp.int32(0x5F3759DF) - (
            lax.bitcast_convert_type(denom, jnp.int32) >> 1)
        y = lax.bitcast_convert_type(seed, jnp.float32)
        for _ in range(3):
            y = y * (jnp.float32(1.5) - jnp.float32(0.5) * denom * y * y)
        out_v[pl.ds(g * L, L)] = acc_eo * y
        return carry

    lax.fori_loop(0, GROUPS, group, jnp.int32(0))
    pltpu.sync_copy(out_v, out_hbm.at[pl.ds(base, BPW)])


_sc_cosine = functools.partial(
    pl.kernel,
    out_type=jax.ShapeDtypeStruct((BATCH,), jnp.float32),
    mesh=plsc.VectorSubcoreMesh(core_axis_name="c", subcore_axis_name="s"),
    compiler_params=pltpu.CompilerParams(
        needs_layout_passes=False, use_tc_tiling_on_sc=False),
    scratch_types=[
        pltpu.VMEM((NCH, CH), jnp.int32),
        pltpu.VMEM((NCH, CH), jnp.int32),
        pltpu.VMEM((BPW, DIM), jnp.float32),
        pltpu.VMEM((BPW, DIM), jnp.float32),
        pltpu.VMEM((BPW,), jnp.float32),
        pltpu.SemaphoreType.DMA,
    ],
)(_cosine_body)


def kernel(e_id, o_id, mentees, mentors):
    e = e_id.astype(jnp.int32).reshape(NW, NCH, CH)
    o = o_id.astype(jnp.int32).reshape(NW, NCH, CH)
    return _sc_cosine(e, o, mentees, mentors)

# --- scband reference (transcript-rebuilt; emitter-appended) ---
"""Pipeline reference for scband-embedding-generation-model-20736102105588 (READ-ONLY COPY).

The authoritative reference and input builder live on the scoring server;
editing this copy changes nothing except your own understanding.
"""

import jax, jax.numpy as jnp
import numpy as np

NUM_MENTEES = 1000000
NUM_MENTORS = 1000000
DIM = 16
BATCH = 16384

def setup_inputs(seed: int = 0) -> dict:
    key = jax.random.key(seed)
    k1, k2, k3, k4 = jax.random.split(key, 4)
    e_id = jax.random.randint(k1, (BATCH,), 0, NUM_MENTEES, dtype=jnp.int64) if jax.config.jax_enable_x64 else jax.random.randint(k1, (BATCH,), 0, NUM_MENTEES, dtype=jnp.int32)
    o_id = jax.random.randint(k2, (BATCH,), 0, NUM_MENTORS, dtype=jnp.int32)
    mentees = jax.random.normal(k3, (NUM_MENTEES, DIM), dtype=jnp.float32)
    mentors = jax.random.normal(k4, (NUM_MENTORS, DIM), dtype=jnp.float32)
    return {"e_id": e_id, "o_id": o_id, "mentees": mentees, "mentors": mentors}

def reference(e_id, o_id, mentees, mentors):
    # Faithful translation of EmbeddingGenerationModel.forward
    e_vec = jnp.take(mentees, e_id, axis=0)   # [B, dim]
    o_vec = jnp.take(mentors, o_id, axis=0)   # [B, dim]
    e_norm = jnp.linalg.norm(e_vec, axis=1)   # [B]
    o_norm = jnp.linalg.norm(o_vec, axis=1)   # [B]
    return jnp.sum(o_vec * e_vec, axis=1) / (o_norm * e_norm)

if __name__ == "__main__":
    import jax
    _d = setup_inputs()
    print(jax.jit(kernel)(*tuple(_d.values())))

</pallas_src>

<mosaic_0001>
#map = affine_map<(d0, d1) -> (0, 0, 0)>
#map1 = affine_map<(d0, d1) -> (0, 0)>
#map2 = affine_map<(d0, d1) -> (0)>
module attributes {stable_mosaic.version = 14 : i64} {
  func.func @_cosine_body(%arg0: i32, %arg1: i32, %arg2: memref<32x4x128xi32, #tpu.memory_space<hbm>>, %arg3: memref<32x4x128xi32, #tpu.memory_space<hbm>>, %arg4: memref<1000000x16xf32, #tpu.memory_space<hbm>>, %arg5: memref<1000000x16xf32, #tpu.memory_space<hbm>>, %arg6: memref<16384xf32, #tpu.memory_space<hbm>>, %arg7: memref<4x128xi32, #tpu.memory_space<vmem>>, %arg8: memref<4x128xi32, #tpu.memory_space<vmem>>, %arg9: memref<512x16xf32, #tpu.memory_space<vmem>>, %arg10: memref<512x16xf32, #tpu.memory_space<vmem>>, %arg11: memref<512xf32, #tpu.memory_space<vmem>>, %arg12: memref<!tpu.dma_semaphore, #tpu.memory_space<semaphore_mem>>) attributes {dimension_semantics = [#tpu.dimension_semantics<core_parallel>, #tpu.dimension_semantics<subcore_parallel>], iteration_bounds = array<i64: 2, 16>, scalar_prefetch = 0 : i64, scratch_operands = 6 : i64, tpu.core_type = #tpu.core_type<sc_vector_subcore>, window_params = [{transform_indices = #map}, {transform_indices = #map}, {transform_indices = #map1}, {transform_indices = #map1}, {transform_indices = #map2}]} {
    %mul3A = arith.constant 2 : i32
    %mul3A_0 = arith.muli %arg1, %mul3A : i32
    %add3A = arith.addi %mul3A_0, %arg0 : i32
    %mul3A_1 = arith.constant 512 : i32
    %mul3A_2 = arith.muli %add3A, %mul3A_1 : i32
    "tpu.region"() ({
      %run_scoped3A = tpu.sem_alloc : memref<!tpu.dma_semaphore, #tpu.memory_space<semaphore_mem>>
      %dma_start3A_166 = arith.constant 0 : i32
      %dma_start3A_167 = arith.constant 0 : i32
      %dma_start3A_168 = tpu.memref_slice %arg2[%add3A, %dma_start3A_166, %dma_start3A_167] : memref<32x4x128xi32, #tpu.memory_space<hbm>> -> memref<1x4x128xi32, #tpu.memory_space<hbm>>
      %dma_start3A_169 = tpu.memref_squeeze %dma_start3A_168 : memref<1x4x128xi32, #tpu.memory_space<hbm>> -> memref<4x128xi32, #tpu.memory_space<hbm>>
      %dma_start3A_170 = arith.constant 0 : i32
      %dma_start3A_171 = arith.constant 0 : i32
      %dma_start3A_172 = tpu.memref_slice %arg2[%add3A, %dma_start3A_170, %dma_start3A_171] : memref<32x4x128xi32, #tpu.memory_space<hbm>> -> memref<1x4x128xi32, #tpu.memory_space<hbm>>
      %dma_start3A_173 = tpu.memref_squeeze %dma_start3A_172 : memref<1x4x128xi32, #tpu.memory_space<hbm>> -> memref<4x128xi32, #tpu.memory_space<hbm>>
      tpu.enqueue_dma source(%dma_start3A_173 : memref<4x128xi32, #tpu.memory_space<hbm>>) target(%arg7 : memref<4x128xi32, #tpu.memory_space<vmem>>) target_semaphore(%run_scoped3A : memref<!tpu.dma_semaphore, #tpu.memory_space<semaphore_mem>>)
      %dma_wait3A_174 = arith.constant 0 : i32
      %dma_wait3A_175 = arith.constant 0 : i32
      %dma_wait3A_176 = tpu.memref_slice %arg2[%add3A, %dma_wait3A_174, %dma_wait3A_175] : memref<32x4x128xi32, #tpu.memory_space<hbm>> -> memref<1x4x128xi32, #tpu.memory_space<hbm>>
      %dma_wait3A_177 = tpu.memref_squeeze %dma_wait3A_176 : memref<1x4x128xi32, #tpu.memory_space<hbm>> -> memref<4x128xi32, #tpu.memory_space<hbm>>
      %dma_wait3A_178 = arith.constant 0 : i32
      %dma_wait3A_179 = arith.constant 0 : i32
      %dma_wait3A_180 = tpu.memref_slice %arg2[%add3A, %dma_wait3A_178, %dma_wait3A_179] : memref<32x4x128xi32, #tpu.memory_space<hbm>> -> memref<1x4x128xi32, #tpu.memory_space<hbm>>
      %dma_wait3A_181 = tpu.memref_squeeze %dma_wait3A_180 : memref<1x4x128xi32, #tpu.memory_space<hbm>> -> memref<4x128xi32, #tpu.memory_space<hbm>>
      tpu.wait_dma2 semaphore(%run_scoped3A : memref<!tpu.dma_semaphore, #tpu.memory_space<semaphore_mem>>) src(%dma_wait3A_181 : memref<4x128xi32, #tpu.memory_space<hbm>>) dst(%arg7 : memref<4x128xi32, #tpu.memory_space<vmem>>)
      tpu.yield
    }) : () -> ()
    "tpu.region"() ({
      %run_scoped3A = tpu.sem_alloc : memref<!tpu.dma_semaphore, #tpu.memory_space<semaphore_mem>>
      %dma_start3A_166 = arith.constant 0 : i32
      %dma_start3A_167 = arith.constant 0 : i32
      %dma_start3A_168 = tpu.memref_slice %arg3[%add3A, %dma_start3A_166, %dma_start3A_167] : memref<32x4x128xi32, #tpu.memory_space<hbm>> -> memref<1x4x128xi32, #tpu.memory_space<hbm>>
      %dma_start3A_169 = tpu.memref_squeeze %dma_start3A_168 : memref<1x4x128xi32, #tpu.memory_space<hbm>> -> memref<4x128xi32, #tpu.memory_space<hbm>>
      %dma_start3A_170 = arith.constant 0 : i32
      %dma_start3A_171 = arith.constant 0 : i32
      %dma_start3A_172 = tpu.memref_slice %arg3[%add3A, %dma_start3A_170, %dma_start3A_171] : memref<32x4x128xi32, #tpu.memory_space<hbm>> -> memref<1x4x128xi32, #tpu.memory_space<hbm>>
      %dma_start3A_173 = tpu.memref_squeeze %dma_start3A_172 : memref<1x4x128xi32, #tpu.memory_space<hbm>> -> memref<4x128xi32, #tpu.memory_space<hbm>>
      tpu.enqueue_dma source(%dma_start3A_173 : memref<4x128xi32, #tpu.memory_space<hbm>>) target(%arg8 : memref<4x128xi32, #tpu.memory_space<vmem>>) target_semaphore(%run_scoped3A : memref<!tpu.dma_semaphore, #tpu.memory_space<semaphore_mem>>)
      %dma_wait3A_174 = arith.constant 0 : i32
      %dma_wait3A_175 = arith.constant 0 : i32
      %dma_wait3A_176 = tpu.memref_slice %arg3[%add3A, %dma_wait3A_174, %dma_wait3A_175] : memref<32x4x128xi32, #tpu.memory_space<hbm>> -> memref<1x4x128xi32, #tpu.memory_space<hbm>>
      %dma_wait3A_177 = tpu.memref_squeeze %dma_wait3A_176 : memref<1x4x128xi32, #tpu.memory_space<hbm>> -> memref<4x128xi32, #tpu.memory_space<hbm>>
      %dma_wait3A_178 = arith.constant 0 : i32
      %dma_wait3A_179 = arith.constant 0 : i32
      %dma_wait3A_180 = tpu.memref_slice %arg3[%add3A, %dma_wait3A_178, %dma_wait3A_179] : memref<32x4x128xi32, #tpu.memory_space<hbm>> -> memref<1x4x128xi32, #tpu.memory_space<hbm>>
      %dma_wait3A_181 = tpu.memref_squeeze %dma_wait3A_180 : memref<1x4x128xi32, #tpu.memory_space<hbm>> -> memref<4x128xi32, #tpu.memory_space<hbm>>
      tpu.wait_dma2 semaphore(%run_scoped3A : memref<!tpu.dma_semaphore, #tpu.memory_space<semaphore_mem>>) src(%dma_wait3A_181 : memref<4x128xi32, #tpu.memory_space<hbm>>) dst(%arg8 : memref<4x128xi32, #tpu.memory_space<vmem>>)
      tpu.yield
    }) : () -> ()
    %dma_start3A = arith.constant 0 : i32
    %dma_start3A_3 = arith.constant 0 : i32
    %dma_start3A_4 = arith.constant 0 : i32
    %dma_start3A_5 = tpu.memref_slice %arg9[%dma_start3A_3, %dma_start3A_4] : memref<512x16xf32, #tpu.memory_space<vmem>> -> memref<128x16xf32, #tpu.memory_space<vmem>>
    %dma_start3A_6 = arith.constant 0 : i32
    %dma_start3A_7 = tpu.memref_slice %arg7[%dma_start3A, %dma_start3A_6] : memref<4x128xi32, #tpu.memory_space<vmem>> -> memref<1x128xi32, #tpu.memory_space<vmem>>
    %dma_start3A_8 = tpu.memref_squeeze %dma_start3A_7 : memref<1x128xi32, #tpu.memory_space<vmem>> -> memref<128xi32, #tpu.memory_space<vmem>>
    %dma_start3A_9 = arith.constant 0 : i32
    %dma_start3A_10 = arith.constant 0 : i32
    %dma_start3A_11 = tpu.memref_slice %arg4[%dma_start3A_9, %dma_start3A_10] : memref<1000000x16xf32, #tpu.memory_space<hbm>> -> memref<1000000x16xf32, #tpu.memory_space<hbm>>
    tpu.enqueue_indirect_dma source(%dma_start3A_11 : memref<1000000x16xf32, #tpu.memory_space<hbm>>) target(%dma_start3A_5 : memref<128x16xf32, #tpu.memory_space<vmem>>) offsets(%dma_start3A_8 : memref<128xi32, #tpu.memory_space<vmem>>) semaphore(%arg12 : memref<!tpu.dma_semaphore, #tpu.memory_space<semaphore_mem>>)
    %dma_start3A_12 = arith.constant 0 : i32
    %dma_start3A_13 = arith.constant 0 : i32
    %dma_start3A_14 = arith.constant 0 : i32
    %dma_start3A_15 = tpu.memref_slice %arg10[%dma_start3A_13, %dma_start3A_14] : memref<512x16xf32, #tpu.memory_space<vmem>> -> memref<128x16xf32, #tpu.memory_space<vmem>>
    %dma_start3A_16 = arith.constant 0 : i32
    %dma_start3A_17 = tpu.memref_slice %arg8[%dma_start3A_12, %dma_start3A_16] : memref<4x128xi32, #tpu.memory_space<vmem>> -> memref<1x128xi32, #tpu.memory_space<vmem>>
    %dma_start3A_18 = tpu.memref_squeeze %dma_start3A_17 : memref<1x128xi32, #tpu.memory_space<vmem>> -> memref<128xi32, #tpu.memory_space<vmem>>
    %dma_start3A_19 = arith.constant 0 : i32
    %dma_start3A_20 = arith.constant 0 : i32
    %dma_start3A_21 = tpu.memref_slice %arg5[%dma_start3A_19, %dma_start3A_20] : memref<1000000x16xf32, #tpu.memory_space<hbm>> -> memref<1000000x16xf32, #tpu.memory_space<hbm>>
    tpu.enqueue_indirect_dma source(%dma_start3A_21 : memref<1000000x16xf32, #tpu.memory_space<hbm>>) target(%dma_start3A_15 : memref<128x16xf32, #tpu.memory_space<vmem>>) offsets(%dma_start3A_18 : memref<128xi32, #tpu.memory_space<vmem>>) semaphore(%arg12 : memref<!tpu.dma_semaphore, #tpu.memory_space<semaphore_mem>>)
    %dma_start3A_22 = arith.constant 1 : i32
    %dma_start3A_23 = arith.constant 128 : i32
    %dma_start3A_24 = arith.constant 0 : i32
    %dma_start3A_25 = tpu.memref_slice %arg9[%dma_start3A_23, %dma_start3A_24] : memref<512x16xf32, #tpu.memory_space<vmem>> -> memref<128x16xf32, #tpu.memory_space<vmem>>
    %dma_start3A_26 = arith.constant 0 : i32
    %dma_start3A_27 = tpu.memref_slice %arg7[%dma_start3A_22, %dma_start3A_26] : memref<4x128xi32, #tpu.memory_space<vmem>> -> memref<1x128xi32, #tpu.memory_space<vmem>>
    %dma_start3A_28 = tpu.memref_squeeze %dma_start3A_27 : memref<1x128xi32, #tpu.memory_space<vmem>> -> memref<128xi32, #tpu.memory_space<vmem>>
    %dma_start3A_29 = arith.constant 0 : i32
    %dma_start3A_30 = arith.constant 0 : i32
    %dma_start3A_31 = tpu.memref_slice %arg4[%dma_start3A_29, %dma_start3A_30] : memref<1000000x16xf32, #tpu.memory_space<hbm>> -> memref<1000000x16xf32, #tpu.memory_space<hbm>>
    tpu.enqueue_indirect_dma source(%dma_start3A_31 : memref<1000000x16xf32, #tpu.memory_space<hbm>>) target(%dma_start3A_25 : memref<128x16xf32, #tpu.memory_space<vmem>>) offsets(%dma_start3A_28 : memref<128xi32, #tpu.memory_space<vmem>>) semaphore(%arg12 : memref<!tpu.dma_semaphore, #tpu.memory_space<semaphore_mem>>)
    %dma_start3A_32 = arith.constant 1 : i32
    %dma_start3A_33 = arith.constant 128 : i32
    %dma_start3A_34 = arith.constant 0 : i32
    %dma_start3A_35 = tpu.memref_slice %arg10[%dma_start3A_33, %dma_start3A_34] : memref<512x16xf32, #tpu.memory_space<vmem>> -> memref<128x16xf32, #tpu.memory_space<vmem>>
    %dma_start3A_36 = arith.constant 0 : i32
    %dma_start3A_37 = tpu.memref_slice %arg8[%dma_start3A_32, %dma_start3A_36] : memref<4x128xi32, #tpu.memory_space<vmem>> -> memref<1x128xi32, #tpu.memory_space<vmem>>
    %dma_start3A_38 = tpu.memref_squeeze %dma_start3A_37 : memref<1x128xi32, #tpu.memory_space<vmem>> -> memref<128xi32, #tpu.memory_space<vmem>>
    %dma_start3A_39 = arith.constant 0 : i32
    %dma_start3A_40 = arith.constant 0 : i32
    %dma_start3A_41 = tpu.memref_slice %arg5[%dma_start3A_39, %dma_start3A_40] : memref<1000000x16xf32, #tpu.memory_space<hbm>> -> memref<1000000x16xf32, #tpu.memory_space<hbm>>
    tpu.enqueue_indirect_dma source(%dma_start3A_41 : memref<1000000x16xf32, #tpu.memory_space<hbm>>) target(%dma_start3A_35 : memref<128x16xf32, #tpu.memory_space<vmem>>) offsets(%dma_start3A_38 : memref<128xi32, #tpu.memory_space<vmem>>) semaphore(%arg12 : memref<!tpu.dma_semaphore, #tpu.memory_space<semaphore_mem>>)
    %dma_start3A_42 = arith.constant 2 : i32
    %dma_start3A_43 = arith.constant 256 : i32
    %dma_start3A_44 = arith.constant 0 : i32
    %dma_start3A_45 = tpu.memref_slice %arg9[%dma_start3A_43, %dma_start3A_44] : memref<512x16xf32, #tpu.memory_space<vmem>> -> memref<128x16xf32, #tpu.memory_space<vmem>>
    %dma_start3A_46 = arith.constant 0 : i32
    %dma_start3A_47 = tpu.memref_slice %arg7[%dma_start3A_42, %dma_start3A_46] : memref<4x128xi32, #tpu.memory_space<vmem>> -> memref<1x128xi32, #tpu.memory_space<vmem>>
    %dma_start3A_48 = tpu.memref_squeeze %dma_start3A_47 : memref<1x128xi32, #tpu.memory_space<vmem>> -> memref<128xi32, #tpu.memory_space<vmem>>
    %dma_start3A_49 = arith.constant 0 : i32
    %dma_start3A_50 = arith.constant 0 : i32
    %dma_start3A_51 = tpu.memref_slice %arg4[%dma_start3A_49, %dma_start3A_50] : memref<1000000x16xf32, #tpu.memory_space<hbm>> -> memref<1000000x16xf32, #tpu.memory_space<hbm>>
    tpu.enqueue_indirect_dma source(%dma_start3A_51 : memref<1000000x16xf32, #tpu.memory_space<hbm>>) target(%dma_start3A_45 : memref<128x16xf32, #tpu.memory_space<vmem>>) offsets(%dma_start3A_48 : memref<128xi32, #tpu.memory_space<vmem>>) semaphore(%arg12 : memref<!tpu.dma_semaphore, #tpu.memory_space<semaphore_mem>>)
    %dma_start3A_52 = arith.constant 2 : i32
    %dma_start3A_53 = arith.constant 256 : i32
    %dma_start3A_54 = arith.constant 0 : i32
    %dma_start3A_55 = tpu.memref_slice %arg10[%dma_start3A_53, %dma_start3A_54] : memref<512x16xf32, #tpu.memory_space<vmem>> -> memref<128x16xf32, #tpu.memory_space<vmem>>
    %dma_start3A_56 = arith.constant 0 : i32
    %dma_start3A_57 = tpu.memref_slice %arg8[%dma_start3A_52, %dma_start3A_56] : memref<4x128xi32, #tpu.memory_space<vmem>> -> memref<1x128xi32, #tpu.memory_space<vmem>>
    %dma_start3A_58 = tpu.memref_squeeze %dma_start3A_57 : memref<1x128xi32, #tpu.memory_space<vmem>> -> memref<128xi32, #tpu.memory_space<vmem>>
    %dma_start3A_59 = arith.constant 0 : i32
    %dma_start3A_60 = arith.constant 0 : i32
    %dma_start3A_61 = tpu.memref_slice %arg5[%dma_start3A_59, %dma_start3A_60] : memref<1000000x16xf32, #tpu.memory_space<hbm>> -> memref<1000000x16xf32, #tpu.memory_space<hbm>>
    tpu.enqueue_indirect_dma source(%dma_start3A_61 : memref<1000000x16xf32, #tpu.memory_space<hbm>>) target(%dma_start3A_55 : memref<128x16xf32, #tpu.memory_space<vmem>>) offsets(%dma_start3A_58 : memref<128xi32, #tpu.memory_space<vmem>>) semaphore(%arg12 : memref<!tpu.dma_semaphore, #tpu.memory_space<semaphore_mem>>)
    %dma_start3A_62 = arith.constant 3 : i32
    %dma_start3A_63 = arith.constant 384 : i32
    %dma_start3A_64 = arith.constant 0 : i32
    %dma_start3A_65 = tpu.memref_slice %arg9[%dma_start3A_63, %dma_start3A_64] : memref<512x16xf32, #tpu.memory_space<vmem>> -> memref<128x16xf32, #tpu.memory_space<vmem>>
    %dma_start3A_66 = arith.constant 0 : i32
    %dma_start3A_67 = tpu.memref_slice %arg7[%dma_start3A_62, %dma_start3A_66] : memref<4x128xi32, #tpu.memory_space<vmem>> -> memref<1x128xi32, #tpu.memory_space<vmem>>
    %dma_start3A_68 = tpu.memref_squeeze %dma_start3A_67 : memref<1x128xi32, #tpu.memory_space<vmem>> -> memref<128xi32, #tpu.memory_space<vmem>>
    %dma_start3A_69 = arith.constant 0 : i32
    %dma_start3A_70 = arith.constant 0 : i32
    %dma_start3A_71 = tpu.memref_slice %arg4[%dma_start3A_69, %dma_start3A_70] : memref<1000000x16xf32, #tpu.memory_space<hbm>> -> memref<1000000x16xf32, #tpu.memory_space<hbm>>
    tpu.enqueue_indirect_dma source(%dma_start3A_71 : memref<1000000x16xf32, #tpu.memory_space<hbm>>) target(%dma_start3A_65 : memref<128x16xf32, #tpu.memory_space<vmem>>) offsets(%dma_start3A_68 : memref<128xi32, #tpu.memory_space<vmem>>) semaphore(%arg12 : memref<!tpu.dma_semaphore, #tpu.memory_space<semaphore_mem>>)
    %dma_start3A_72 = arith.constant 3 : i32
    %dma_start3A_73 = arith.constant 384 : i32
    %dma_start3A_74 = arith.constant 0 : i32
    %dma_start3A_75 = tpu.memref_slice %arg10[%dma_start3A_73, %dma_start3A_74] : memref<512x16xf32, #tpu.memory_space<vmem>> -> memref<128x16xf32, #tpu.memory_space<vmem>>
    %dma_start3A_76 = arith.constant 0 : i32
    %dma_start3A_77 = tpu.memref_slice %arg8[%dma_start3A_72, %dma_start3A_76] : memref<4x128xi32, #tpu.memory_space<vmem>> -> memref<1x128xi32, #tpu.memory_space<vmem>>
    %dma_start3A_78 = tpu.memref_squeeze %dma_start3A_77 : memref<1x128xi32, #tpu.memory_space<vmem>> -> memref<128xi32, #tpu.memory_space<vmem>>
    %dma_start3A_79 = arith.constant 0 : i32
    %dma_start3A_80 = arith.constant 0 : i32
    %dma_start3A_81 = tpu.memref_slice %arg5[%dma_start3A_79, %dma_start3A_80] : memref<1000000x16xf32, #tpu.memory_space<hbm>> -> memref<1000000x16xf32, #tpu.memory_space<hbm>>
    tpu.enqueue_indirect_dma source(%dma_start3A_81 : memref<1000000x16xf32, #tpu.memory_space<hbm>>) target(%dma_start3A_75 : memref<128x16xf32, #tpu.memory_space<vmem>>) offsets(%dma_start3A_78 : memref<128xi32, #tpu.memory_space<vmem>>) semaphore(%arg12 : memref<!tpu.dma_semaphore, #tpu.memory_space<semaphore_mem>>)
    %dma_wait3A = arith.constant 0 : i32
    %dma_wait3A_82 = arith.constant 0 : i32
    %dma_wait3A_83 = arith.constant 0 : i32
    %dma_wait3A_84 = tpu.memref_slice %arg9[%dma_wait3A_82, %dma_wait3A_83] : memref<512x16xf32, #tpu.memory_space<vmem>> -> memref<128x16xf32, #tpu.memory_space<vmem>>
    %dma_wait3A_85 = arith.constant 0 : i32
    %dma_wait3A_86 = tpu.memref_slice %arg7[%dma_wait3A, %dma_wait3A_85] : memref<4x128xi32, #tpu.memory_space<vmem>> -> memref<1x128xi32, #tpu.memory_space<vmem>>
    %dma_wait3A_87 = tpu.memref_squeeze %dma_wait3A_86 : memref<1x128xi32, #tpu.memory_space<vmem>> -> memref<128xi32, #tpu.memory_space<vmem>>
    %dma_wait3A_88 = arith.constant 0 : i32
    %dma_wait3A_89 = arith.constant 0 : i32
    %dma_wait3A_90 = tpu.memref_slice %arg4[%dma_wait3A_88, %dma_wait3A_89] : memref<1000000x16xf32, #tpu.memory_space<hbm>> -> memref<1000000x16xf32, #tpu.memory_space<hbm>>
    tpu.wait_indirect_dma semaphore(%arg12 : memref<!tpu.dma_semaphore, #tpu.memory_space<semaphore_mem>>) src(%dma_wait3A_90 : memref<1000000x16xf32, #tpu.memory_space<hbm>>) dst(%dma_wait3A_84 : memref<128x16xf32, #tpu.memory_space<vmem>>)
    %dma_wait3A_91 = arith.constant 0 : i32
    %dma_wait3A_92 = arith.constant 0 : i32
    %dma_wait3A_93 = arith.constant 0 : i32
    %dma_wait3A_94 = tpu.memref_slice %arg10[%dma_wait3A_92, %dma_wait3A_93] : memref<512x16xf32, #tpu.memory_space<vmem>> -> memref<128x16xf32, #tpu.memory_space<vmem>>
    %dma_wait3A_95 = arith.constant 0 : i32
    %dma_wait3A_96 = tpu.memref_slice %arg8[%dma_wait3A_91, %dma_wait3A_95] : memref<4x128xi32, #tpu.memory_space<vmem>> -> memref<1x128xi32, #tpu.memory_space<vmem>>
    %dma_wait3A_97 = tpu.memref_squeeze %dma_wait3A_96 : memref<1x128xi32, #tpu.memory_space<vmem>> -> memref<128xi32, #tpu.memory_space<vmem>>
    %dma_wait3A_98 = arith.constant 0 : i32
    %dma_wait3A_99 = arith.constant 0 : i32
    %dma_wait3A_100 = tpu.memref_slice %arg5[%dma_wait3A_98, %dma_wait3A_99] : memref<1000000x16xf32, #tpu.memory_space<hbm>> -> memref<1000000x16xf32, #tpu.memory_space<hbm>>
    tpu.wait_indirect_dma semaphore(%arg12 : memref<!tpu.dma_semaphore, #tpu.memory_space<semaphore_mem>>) src(%dma_wait3A_100 : memref<1000000x16xf32, #tpu.memory_space<hbm>>) dst(%dma_wait3A_94 : memref<128x16xf32, #tpu.memory_space<vmem>>)
    %dma_wait3A_101 = arith.constant 1 : i32
    %dma_wait3A_102 = arith.constant 128 : i32
    %dma_wait3A_103 = arith.constant 0 : i32
    %dma_wait3A_104 = tpu.memref_slice %arg9[%dma_wait3A_102, %dma_wait3A_103] : memref<512x16xf32, #tpu.memory_space<vmem>> -> memref<128x16xf32, #tpu.memory_space<vmem>>
    %dma_wait3A_105 = arith.constant 0 : i32
    %dma_wait3A_106 = tpu.memref_slice %arg7[%dma_wait3A_101, %dma_wait3A_105] : memref<4x128xi32, #tpu.memory_space<vmem>> -> memref<1x128xi32, #tpu.memory_space<vmem>>
    %dma_wait3A_107 = tpu.memref_squeeze %dma_wait3A_106 : memref<1x128xi32, #tpu.memory_space<vmem>> -> memref<128xi32, #tpu.memory_space<vmem>>
    %dma_wait3A_108 = arith.constant 0 : i32
    %dma_wait3A_109 = arith.constant 0 : i32
    %dma_wait3A_110 = tpu.memref_slice %arg4[%dma_wait3A_108, %dma_wait3A_109] : memref<1000000x16xf32, #tpu.memory_space<hbm>> -> memref<1000000x16xf32, #tpu.memory_space<hbm>>
    tpu.wait_indirect_dma semaphore(%arg12 : memref<!tpu.dma_semaphore, #tpu.memory_space<semaphore_mem>>) src(%dma_wait3A_110 : memref<1000000x16xf32, #tpu.memory_space<hbm>>) dst(%dma_wait3A_104 : memref<128x16xf32, #tpu.memory_space<vmem>>)
    %dma_wait3A_111 = arith.constant 1 : i32
    %dma_wait3A_112 = arith.constant 128 : i32
    %dma_wait3A_113 = arith.constant 0 : i32
    %dma_wait3A_114 = tpu.memref_slice %arg10[%dma_wait3A_112, %dma_wait3A_113] : memref<512x16xf32, #tpu.memory_space<vmem>> -> memref<128x16xf32, #tpu.memory_space<vmem>>
    %dma_wait3A_115 = arith.constant 0 : i32
    %dma_wait3A_116 = tpu.memref_slice %arg8[%dma_wait3A_111, %dma_wait3A_115] : memref<4x128xi32, #tpu.memory_space<vmem>> -> memref<1x128xi32, #tpu.memory_space<vmem>>
    %dma_wait3A_117 = tpu.memref_squeeze %dma_wait3A_116 : memref<1x128xi32, #tpu.memory_space<vmem>> -> memref<128xi32, #tpu.memory_space<vmem>>
    %dma_wait3A_118 = arith.constant 0 : i32
    %dma_wait3A_119 = arith.constant 0 : i32
    %dma_wait3A_120 = tpu.memref_slice %arg5[%dma_wait3A_118, %dma_wait3A_119] : memref<1000000x16xf32, #tpu.memory_space<hbm>> -> memref<1000000x16xf32, #tpu.memory_space<hbm>>
    tpu.wait_indirect_dma semaphore(%arg12 : memref<!tpu.dma_semaphore, #tpu.memory_space<semaphore_mem>>) src(%dma_wait3A_120 : memref<1000000x16xf32, #tpu.memory_space<hbm>>) dst(%dma_wait3A_114 : memref<128x16xf32, #tpu.memory_space<vmem>>)
    %dma_wait3A_121 = arith.constant 2 : i32
    %dma_wait3A_122 = arith.constant 256 : i32
    %dma_wait3A_123 = arith.constant 0 : i32
    %dma_wait3A_124 = tpu.memref_slice %arg9[%dma_wait3A_122, %dma_wait3A_123] : memref<512x16xf32, #tpu.memory_space<vmem>> -> memref<128x16xf32, #tpu.memory_space<vmem>>
    %dma_wait3A_125 = arith.constant 0 : i32
    %dma_wait3A_126 = tpu.memref_slice %arg7[%dma_wait3A_121, %dma_wait3A_125] : memref<4x128xi32, #tpu.memory_space<vmem>> -> memref<1x128xi32, #tpu.memory_space<vmem>>
    %dma_wait3A_127 = tpu.memref_squeeze %dma_wait3A_126 : memref<1x128xi32, #tpu.memory_space<vmem>> -> memref<128xi32, #tpu.memory_space<vmem>>
    %dma_wait3A_128 = arith.constant 0 : i32
    %dma_wait3A_129 = arith.constant 0 : i32
    %dma_wait3A_130 = tpu.memref_slice %arg4[%dma_wait3A_128, %dma_wait3A_129] : memref<1000000x16xf32, #tpu.memory_space<hbm>> -> memref<1000000x16xf32, #tpu.memory_space<hbm>>
    tpu.wait_indirect_dma semaphore(%arg12 : memref<!tpu.dma_semaphore, #tpu.memory_space<semaphore_mem>>) src(%dma_wait3A_130 : memref<1000000x16xf32, #tpu.memory_space<hbm>>) dst(%dma_wait3A_124 : memref<128x16xf32, #tpu.memory_space<vmem>>)
    %dma_wait3A_131 = arith.constant 2 : i32
    %dma_wait3A_132 = arith.constant 256 : i32
    %dma_wait3A_133 = arith.constant 0 : i32
    %dma_wait3A_134 = tpu.memref_slice %arg10[%dma_wait3A_132, %dma_wait3A_133] : memref<512x16xf32, #tpu.memory_space<vmem>> -> memref<128x16xf32, #tpu.memory_space<vmem>>
    %dma_wait3A_135 = arith.constant 0 : i32
    %dma_wait3A_136 = tpu.memref_slice %arg8[%dma_wait3A_131, %dma_wait3A_135] : memref<4x128xi32, #tpu.memory_space<vmem>> -> memref<1x128xi32, #tpu.memory_space<vmem>>
    %dma_wait3A_137 = tpu.memref_squeeze %dma_wait3A_136 : memref<1x128xi32, #tpu.memory_space<vmem>> -> memref<128xi32, #tpu.memory_space<vmem>>
    %dma_wait3A_138 = arith.constant 0 : i32
    %dma_wait3A_139 = arith.constant 0 : i32
    %dma_wait3A_140 = tpu.memref_slice %arg5[%dma_wait3A_138, %dma_wait3A_139] : memref<1000000x16xf32, #tpu.memory_space<hbm>> -> memref<1000000x16xf32, #tpu.memory_space<hbm>>
    tpu.wait_indirect_dma semaphore(%arg12 : memref<!tpu.dma_semaphore, #tpu.memory_space<semaphore_mem>>) src(%dma_wait3A_140 : memref<1000000x16xf32, #tpu.memory_space<hbm>>) dst(%dma_wait3A_134 : memref<128x16xf32, #tpu.memory_space<vmem>>)
    %dma_wait3A_141 = arith.constant 3 : i32
    %dma_wait3A_142 = arith.constant 384 : i32
    %dma_wait3A_143 = arith.constant 0 : i32
    %dma_wait3A_144 = tpu.memref_slice %arg9[%dma_wait3A_142, %dma_wait3A_143] : memref<512x16xf32, #tpu.memory_space<vmem>> -> memref<128x16xf32, #tpu.memory_space<vmem>>
    %dma_wait3A_145 = arith.constant 0 : i32
    %dma_wait3A_146 = tpu.memref_slice %arg7[%dma_wait3A_141, %dma_wait3A_145] : memref<4x128xi32, #tpu.memory_space<vmem>> -> memref<1x128xi32, #tpu.memory_space<vmem>>
    %dma_wait3A_147 = tpu.memref_squeeze %dma_wait3A_146 : memref<1x128xi32, #tpu.memory_space<vmem>> -> memref<128xi32, #tpu.memory_space<vmem>>
    %dma_wait3A_148 = arith.constant 0 : i32
    %dma_wait3A_149 = arith.constant 0 : i32
    %dma_wait3A_150 = tpu.memref_slice %arg4[%dma_wait3A_148, %dma_wait3A_149] : memref<1000000x16xf32, #tpu.memory_space<hbm>> -> memref<1000000x16xf32, #tpu.memory_space<hbm>>
    tpu.wait_indirect_dma semaphore(%arg12 : memref<!tpu.dma_semaphore, #tpu.memory_space<semaphore_mem>>) src(%dma_wait3A_150 : memref<1000000x16xf32, #tpu.memory_space<hbm>>) dst(%dma_wait3A_144 : memref<128x16xf32, #tpu.memory_space<vmem>>)
    %dma_wait3A_151 = arith.constant 3 : i32
    %dma_wait3A_152 = arith.constant 384 : i32
    %dma_wait3A_153 = arith.constant 0 : i32
    %dma_wait3A_154 = tpu.memref_slice %arg10[%dma_wait3A_152, %dma_wait3A_153] : memref<512x16xf32, #tpu.memory_space<vmem>> -> memref<128x16xf32, #tpu.memory_space<vmem>>
    %dma_wait3A_155 = arith.constant 0 : i32
    %dma_wait3A_156 = tpu.memref_slice %arg8[%dma_wait3A_151, %dma_wait3A_155] : memref<4x128xi32, #tpu.memory_space<vmem>> -> memref<1x128xi32, #tpu.memory_space<vmem>>
    %dma_wait3A_157 = tpu.memref_squeeze %dma_wait3A_156 : memref<1x128xi32, #tpu.memory_space<vmem>> -> memref<128xi32, #tpu.memory_space<vmem>>
    %dma_wait3A_158 = arith.constant 0 : i32
    %dma_wait3A_159 = arith.constant 0 : i32
    %dma_wait3A_160 = tpu.memref_slice %arg5[%dma_wait3A_158, %dma_wait3A_159] : memref<1000000x16xf32, #tpu.memory_space<hbm>> -> memref<1000000x16xf32, #tpu.memory_space<hbm>>
    tpu.wait_indirect_dma semaphore(%arg12 : memref<!tpu.dma_semaphore, #tpu.memory_space<semaphore_mem>>) src(%dma_wait3A_160 : memref<1000000x16xf32, #tpu.memory_space<hbm>>) dst(%dma_wait3A_154 : memref<128x16xf32, #tpu.memory_space<vmem>>)
    %iota3A = tpu.iota {dimensions = array<i32: 0>} : vector<16xi32>
    %scan3A = arith.constant 0 : i32
    %scan3A_161 = arith.constant 0 : i32
    %scan3A_162 = arith.constant 32 : i32
    %scan3A_163 = arith.addi %scan3A_161, %scan3A_162 : i32
    %scan3A_164 = arith.constant 1 : i32
    scf.for %scan3A_166 = %scan3A_161 to %scan3A_163 step %scan3A_164  : i32 {
      %mul3A_167 = arith.constant 16 : i32
      %mul3A_168 = arith.muli %scan3A_166, %mul3A_167 : i32
      %add3A_169 = vector.broadcast %mul3A_168 : i32 to vector<16xi32>
      %add3A_170 = arith.addi %iota3A, %add3A_169 : vector<16xi32>
      %broadcast_in_dim3A = arith.constant 0.000000e+00 : f32
      %broadcast_in_dim3A_171 = vector.broadcast %broadcast_in_dim3A : f32 to vector<16xf32>
      %broadcast_in_dim3A_172 = arith.constant 0.000000e+00 : f32
      %broadcast_in_dim3A_173 = vector.broadcast %broadcast_in_dim3A_172 : f32 to vector<16xf32>
      %broadcast_in_dim3A_174 = arith.constant 0.000000e+00 : f32
      %broadcast_in_dim3A_175 = vector.broadcast %broadcast_in_dim3A_174 : f32 to vector<16xf32>
      %broadcast_in_dim3A_176 = arith.constant 0 : i32
      %broadcast_in_dim3A_177 = vector.broadcast %broadcast_in_dim3A_176 : i32 to vector<16xi32>
      %gather3A = tpu.vector_load_idx %arg9[%add3A_170, %broadcast_in_dim3A_177] : memref<512x16xf32, #tpu.memory_space<vmem>>[vector<16xi32>, vector<16xi32>], vector<16xf32>,
      %gather3A_178 = tpu.vector_load_idx %arg10[%add3A_170, %broadcast_in_dim3A_177] : memref<512x16xf32, #tpu.memory_space<vmem>>[vector<16xi32>, vector<16xi32>], vector<16xf32>,
      %mul3A_179 = arith.mulf %gather3A, %gather3A_178 : vector<16xf32>
      %add3A_180 = arith.addf %broadcast_in_dim3A_171, %mul3A_179 : vector<16xf32>
      %mul3A_181 = arith.mulf %gather3A, %gather3A : vector<16xf32>
      %add3A_182 = arith.addf %broadcast_in_dim3A_173, %mul3A_181 : vector<16xf32>
      %mul3A_183 = arith.mulf %gather3A_178, %gather3A_178 : vector<16xf32>
      %add3A_184 = arith.addf %broadcast_in_dim3A_175, %mul3A_183 : vector<16xf32>
      %broadcast_in_dim3A_185 = arith.constant 1 : i32
      %broadcast_in_dim3A_186 = vector.broadcast %broadcast_in_dim3A_185 : i32 to vector<16xi32>
      %gather3A_187 = tpu.vector_load_idx %arg9[%add3A_170, %broadcast_in_dim3A_186] : memref<512x16xf32, #tpu.memory_space<vmem>>[vector<16xi32>, vector<16xi32>], vector<16xf32>,
      %gather3A_188 = tpu.vector_load_idx %arg10[%add3A_170, %broadcast_in_dim3A_186] : memref<512x16xf32, #tpu.memory_space<vmem>>[vector<16xi32>, vector<16xi32>], vector<16xf32>,
      %mul3A_189 = arith.mulf %gather3A_187, %gather3A_188 : vector<16xf32>
      %add3A_190 = arith.addf %add3A_180, %mul3A_189 : vector<16xf32>
      %mul3A_191 = arith.mulf %gather3A_187, %gather3A_187 : vector<16xf32>
      %add3A_192 = arith.addf %add3A_182, %mul3A_191 : vector<16xf32>
      %mul3A_193 = arith.mulf %gather3A_188, %gather3A_188 : vector<16xf32>
      %add3A_194 = arith.addf %add3A_184, %mul3A_193 : vector<16xf32>
      %broadcast_in_dim3A_195 = arith.constant 2 : i32
      %broadcast_in_dim3A_196 = vector.broadcast %broadcast_in_dim3A_195 : i32 to vector<16xi32>
      %gather3A_197 = tpu.vector_load_idx %arg9[%add3A_170, %broadcast_in_dim3A_196] : memref<512x16xf32, #tpu.memory_space<vmem>>[vector<16xi32>, vector<16xi32>], vector<16xf32>,
      %gather3A_198 = tpu.vector_load_idx %arg10[%add3A_170, %broadcast_in_dim3A_196] : memref<512x16xf32, #tpu.memory_space<vmem>>[vector<16xi32>, vector<16xi32>], vector<16xf32>,
      %mul3A_199 = arith.mulf %gather3A_197, %gather3A_198 : vector<16xf32>
      %add3A_200 = arith.addf %add3A_190, %mul3A_199 : vector<16xf32>
      %mul3A_201 = arith.mulf %gather3A_197, %gather3A_197 : vector<16xf32>
      %add3A_202 = arith.addf %add3A_192, %mul3A_201 : vector<16xf32>
      %mul3A_203 = arith.mulf %gather3A_198, %gather3A_198 : vector<16xf32>
      %add3A_204 = arith.addf %add3A_194, %mul3A_203 : vector<16xf32>
      %broadcast_in_dim3A_205 = arith.constant 3 : i32
      %broadcast_in_dim3A_206 = vector.broadcast %broadcast_in_dim3A_205 : i32 to vector<16xi32>
      %gather3A_207 = tpu.vector_load_idx %arg9[%add3A_170, %broadcast_in_dim3A_206] : memref<512x16xf32, #tpu.memory_space<vmem>>[vector<16xi32>, vector<16xi32>], vector<16xf32>,
      %gather3A_208 = tpu.vector_load_idx %arg10[%add3A_170, %broadcast_in_dim3A_206] : memref<512x16xf32, #tpu.memory_space<vmem>>[vector<16xi32>, vector<16xi32>], vector<16xf32>,
      %mul3A_209 = arith.mulf %gather3A_207, %gather3A_208 : vector<16xf32>
      %add3A_210 = arith.addf %add3A_200, %mul3A_209 : vector<16xf32>
      %mul3A_211 = arith.mulf %gather3A_207, %gather3A_207 : vector<16xf32>
      %add3A_212 = arith.addf %add3A_202, %mul3A_211 : vector<16xf32>
      %mul3A_213 = arith.mulf %gather3A_208, %gather3A_208 : vector<16xf32>
      %add3A_214 = arith.addf %add3A_204, %mul3A_213 : vector<16xf32>
      %broadcast_in_dim3A_215 = arith.constant 4 : i32
      %broadcast_in_dim3A_216 = vector.broadcast %broadcast_in_dim3A_215 : i32 to vector<16xi32>
      %gather3A_217 = tpu.vector_load_idx %arg9[%add3A_170, %broadcast_in_dim3A_216] : memref<512x16xf32, #tpu.memory_space<vmem>>[vector<16xi32>, vector<16xi32>], vector<16xf32>,
      %gather3A_218 = tpu.vector_load_idx %arg10[%add3A_170, %broadcast_in_dim3A_216] : memref<512x16xf32, #tpu.memory_space<vmem>>[vector<16xi32>, vector<16xi32>], vector<16xf32>,
      %mul3A_219 = arith.mulf %gather3A_217, %gather3A_218 : vector<16xf32>
      %add3A_220 = arith.addf %add3A_210, %mul3A_219 : vector<16xf32>
      %mul3A_221 = arith.mulf %gather3A_217, %gather3A_217 : vector<16xf32>
      %add3A_222 = arith.addf %add3A_212, %mul3A_221 : vector<16xf32>
      %mul3A_223 = arith.mulf %gather3A_218, %gather3A_218 : vector<16xf32>
      %add3A_224 = arith.addf %add3A_214, %mul3A_223 : vector<16xf32>
      %broadcast_in_dim3A_225 = arith.constant 5 : i32
      %broadcast_in_dim3A_226 = vector.broadcast %broadcast_in_dim3A_225 : i32 to vector<16xi32>
      %gather3A_227 = tpu.vector_load_idx %arg9[%add3A_170, %broadcast_in_dim3A_226] : memref<512x16xf32, #tpu.memory_space<vmem>>[vector<16xi32>, vector<16xi32>], vector<16xf32>,
      %gather3A_228 = tpu.vector_load_idx %arg10[%add3A_170, %broadcast_in_dim3A_226] : memref<512x16xf32, #tpu.memory_space<vmem>>[vector<16xi32>, vector<16xi32>], vector<16xf32>,
      %mul3A_229 = arith.mulf %gather3A_227, %gather3A_228 : vector<16xf32>
      %add3A_230 = arith.addf %add3A_220, %mul3A_229 : vector<16xf32>
      %mul3A_231 = arith.mulf %gather3A_227, %gather3A_227 : vector<16xf32>
      %add3A_232 = arith.addf %add3A_222, %mul3A_231 : vector<16xf32>
      %mul3A_233 = arith.mulf %gather3A_228, %gather3A_228 : vector<16xf32>
      %add3A_234 = arith.addf %add3A_224, %mul3A_233 : vector<16xf32>
      %broadcast_in_dim3A_235 = arith.constant 6 : i32
      %broadcast_in_dim3A_236 = vector.broadcast %broadcast_in_dim3A_235 : i32 to vector<16xi32>
      %gather3A_237 = tpu.vector_load_idx %arg9[%add3A_170, %broadcast_in_dim3A_236] : memref<512x16xf32, #tpu.memory_space<vmem>>[vector<16xi32>, vector<16xi32>], vector<16xf32>,
      %gather3A_238 = tpu.vector_load_idx %arg10[%add3A_170, %broadcast_in_dim3A_236] : memref<512x16xf32, #tpu.memory_space<vmem>>[vector<16xi32>, vector<16xi32>], vector<16xf32>,
      %mul3A_239 = arith.mulf %gather3A_237, %gather3A_238 : vector<16xf32>
      %add3A_240 = arith.addf %add3A_230, %mul3A_239 : vector<16xf32>
      %mul3A_241 = arith.mulf %gather3A_237, %gather3A_237 : vector<16xf32>
      %add3A_242 = arith.addf %add3A_232, %mul3A_241 : vector<16xf32>
      %mul3A_243 = arith.mulf %gather3A_238, %gather3A_238 : vector<16xf32>
      %add3A_244 = arith.addf %add3A_234, %mul3A_243 : vector<16xf32>
      %broadcast_in_dim3A_245 = arith.constant 7 : i32
      %broadcast_in_dim3A_246 = vector.broadcast %broadcast_in_dim3A_245 : i32 to vector<16xi32>
      %gather3A_247 = tpu.vector_load_idx %arg9[%add3A_170, %broadcast_in_dim3A_246] : memref<512x16xf32, #tpu.memory_space<vmem>>[vector<16xi32>, vector<16xi32>], vector<16xf32>,
      %gather3A_248 = tpu.vector_load_idx %arg10[%add3A_170, %broadcast_in_dim3A_246] : memref<512x16xf32, #tpu.memory_space<vmem>>[vector<16xi32>, vector<16xi32>], vector<16xf32>,
      %mul3A_249 = arith.mulf %gather3A_247, %gather3A_248 : vector<16xf32>
      %add3A_250 = arith.addf %add3A_240, %mul3A_249 : vector<16xf32>
      %mul3A_251 = arith.mulf %gather3A_247, %gather3A_247 : vector<16xf32>
      %add3A_252 = arith.addf %add3A_242, %mul3A_251 : vector<16xf32>
      %mul3A_253 = arith.mulf %gather3A_248, %gather3A_248 : vector<16xf32>
      %add3A_254 = arith.addf %add3A_244, %mul3A_253 : vector<16xf32>
      %broadcast_in_dim3A_255 = arith.constant 8 : i32
      %broadcast_in_dim3A_256 = vector.broadcast %broadcast_in_dim3A_255 : i32 to vector<16xi32>
      %gather3A_257 = tpu.vector_load_idx %arg9[%add3A_170, %broadcast_in_dim3A_256] : memref<512x16xf32, #tpu.memory_space<vmem>>[vector<16xi32>, vector<16xi32>], vector<16xf32>,
      %gather3A_258 = tpu.vector_load_idx %arg10[%add3A_170, %broadcast_in_dim3A_256] : memref<512x16xf32, #tpu.memory_space<vmem>>[vector<16xi32>, vector<16xi32>], vector<16xf32>,
      %mul3A_259 = arith.mulf %gather3A_257, %gather3A_258 : vector<16xf32>
      %add3A_260 = arith.addf %add3A_250, %mul3A_259 : vector<16xf32>
      %mul3A_261 = arith.mulf %gather3A_257, %gather3A_257 : vector<16xf32>
      %add3A_262 = arith.addf %add3A_252, %mul3A_261 : vector<16xf32>
      %mul3A_263 = arith.mulf %gather3A_258, %gather3A_258 : vector<16xf32>
      %add3A_264 = arith.addf %add3A_254, %mul3A_263 : vector<16xf32>
      %broadcast_in_dim3A_265 = arith.constant 9 : i32
      %broadcast_in_dim3A_266 = vector.broadcast %broadcast_in_dim3A_265 : i32 to vector<16xi32>
      %gather3A_267 = tpu.vector_load_idx %arg9[%add3A_170, %broadcast_in_dim3A_266] : memref<512x16xf32, #tpu.memory_space<vmem>>[vector<16xi32>, vector<16xi32>], vector<16xf32>,
      %gather3A_268 = tpu.vector_load_idx %arg10[%add3A_170, %broadcast_in_dim3A_266] : memref<512x16xf32, #tpu.memory_space<vmem>>[vector<16xi32>, vector<16xi32>], vector<16xf32>,
      %mul3A_269 = arith.mulf %gather3A_267, %gather3A_268 : vector<16xf32>
      %add3A_270 = arith.addf %add3A_260, %mul3A_269 : vector<16xf32>
      %mul3A_271 = arith.mulf %gather3A_267, %gather3A_267 : vector<16xf32>
      %add3A_272 = arith.addf %add3A_262, %mul3A_271 : vector<16xf32>
      %mul3A_273 = arith.mulf %gather3A_268, %gather3A_268 : vector<16xf32>
      %add3A_274 = arith.addf %add3A_264, %mul3A_273 : vector<16xf32>
      %broadcast_in_dim3A_275 = arith.constant 10 : i32
      %broadcast_in_dim3A_276 = vector.broadcast %broadcast_in_dim3A_275 : i32 to vector<16xi32>
      %gather3A_277 = tpu.vector_load_idx %arg9[%add3A_170, %broadcast_in_dim3A_276] : memref<512x16xf32, #tpu.memory_space<vmem>>[vector<16xi32>, vector<16xi32>], vector<16xf32>,
      %gather3A_278 = tpu.vector_load_idx %arg10[%add3A_170, %broadcast_in_dim3A_276] : memref<512x16xf32, #tpu.memory_space<vmem>>[vector<16xi32>, vector<16xi32>], vector<16xf32>,
      %mul3A_279 = arith.mulf %gather3A_277, %gather3A_278 : vector<16xf32>
      %add3A_280 = arith.addf %add3A_270, %mul3A_279 : vector<16xf32>
      %mul3A_281 = arith.mulf %gather3A_277, %gather3A_277 : vector<16xf32>
      %add3A_282 = arith.addf %add3A_272, %mul3A_281 : vector<16xf32>
      %mul3A_283 = arith.mulf %gather3A_278, %gather3A_278 : vector<16xf32>
      %add3A_284 = arith.addf %add3A_274, %mul3A_283 : vector<16xf32>
      %broadcast_in_dim3A_285 = arith.constant 11 : i32
      %broadcast_in_dim3A_286 = vector.broadcast %broadcast_in_dim3A_285 : i32 to vector<16xi32>
      %gather3A_287 = tpu.vector_load_idx %arg9[%add3A_170, %broadcast_in_dim3A_286] : memref<512x16xf32, #tpu.memory_space<vmem>>[vector<16xi32>, vector<16xi32>], vector<16xf32>,
      %gather3A_288 = tpu.vector_load_idx %arg10[%add3A_170, %broadcast_in_dim3A_286] : memref<512x16xf32, #tpu.memory_space<vmem>>[vector<16xi32>, vector<16xi32>], vector<16xf32>,
      %mul3A_289 = arith.mulf %gather3A_287, %gather3A_288 : vector<16xf32>
      %add3A_290 = arith.addf %add3A_280, %mul3A_289 : vector<16xf32>
      %mul3A_291 = arith.mulf %gather3A_287, %gather3A_287 : vector<16xf32>
      %add3A_292 = arith.addf %add3A_282, %mul3A_291 : vector<16xf32>
      %mul3A_293 = arith.mulf %gather3A_288, %gather3A_288 : vector<16xf32>
      %add3A_294 = arith.addf %add3A_284, %mul3A_293 : vector<16xf32>
      %broadcast_in_dim3A_295 = arith.constant 12 : i32
      %broadcast_in_dim3A_296 = vector.broadcast %broadcast_in_dim3A_295 : i32 to vector<16xi32>
      %gather3A_297 = tpu.vector_load_idx %arg9[%add3A_170, %broadcast_in_dim3A_296] : memref<512x16xf32, #tpu.memory_space<vmem>>[vector<16xi32>, vector<16xi32>], vector<16xf32>,
      %gather3A_298 = tpu.vector_load_idx %arg10[%add3A_170, %broadcast_in_dim3A_296] : memref<512x16xf32, #tpu.memory_space<vmem>>[vector<16xi32>, vector<16xi32>], vector<16xf32>,
      %mul3A_299 = arith.mulf %gather3A_297, %gather3A_298 : vector<16xf32>
      %add3A_300 = arith.addf %add3A_290, %mul3A_299 : vector<16xf32>
      %mul3A_301 = arith.mulf %gather3A_297, %gather3A_297 : vector<16xf32>
      %add3A_302 = arith.addf %add3A_292, %mul3A_301 : vector<16xf32>
      %mul3A_303 = arith.mulf %gather3A_298, %gather3A_298 : vector<16xf32>
      %add3A_304 = arith.addf %add3A_294, %mul3A_303 : vector<16xf32>
      %broadcast_in_dim3A_305 = arith.constant 13 : i32
      %broadcast_in_dim3A_306 = vector.broadcast %broadcast_in_dim3A_305 : i32 to vector<16xi32>
      %gather3A_307 = tpu.vector_load_idx %arg9[%add3A_170, %broadcast_in_dim3A_306] : memref<512x16xf32, #tpu.memory_space<vmem>>[vector<16xi32>, vector<16xi32>], vector<16xf32>,
      %gather3A_308 = tpu.vector_load_idx %arg10[%add3A_170, %broadcast_in_dim3A_306] : memref<512x16xf32, #tpu.memory_space<vmem>>[vector<16xi32>, vector<16xi32>], vector<16xf32>,
      %mul3A_309 = arith.mulf %gather3A_307, %gather3A_308 : vector<16xf32>
      %add3A_310 = arith.addf %add3A_300, %mul3A_309 : vector<16xf32>
      %mul3A_311 = arith.mulf %gather3A_307, %gather3A_307 : vector<16xf32>
      %add3A_312 = arith.addf %add3A_302, %mul3A_311 : vector<16xf32>
      %mul3A_313 = arith.mulf %gather3A_308, %gather3A_308 : vector<16xf32>
      %add3A_314 = arith.addf %add3A_304, %mul3A_313 : vector<16xf32>
      %broadcast_in_dim3A_315 = arith.constant 14 : i32
      %broadcast_in_dim3A_316 = vector.broadcast %broadcast_in_dim3A_315 : i32 to vector<16xi32>
      %gather3A_317 = tpu.vector_load_idx %arg9[%add3A_170, %broadcast_in_dim3A_316] : memref<512x16xf32, #tpu.memory_space<vmem>>[vector<16xi32>, vector<16xi32>], vector<16xf32>,
      %gather3A_318 = tpu.vector_load_idx %arg10[%add3A_170, %broadcast_in_dim3A_316] : memref<512x16xf32, #tpu.memory_space<vmem>>[vector<16xi32>, vector<16xi32>], vector<16xf32>,
      %mul3A_319 = arith.mulf %gather3A_317, %gather3A_318 : vector<16xf32>
      %add3A_320 = arith.addf %add3A_310, %mul3A_319 : vector<16xf32>
      %mul3A_321 = arith.mulf %gather3A_317, %gather3A_317 : vector<16xf32>
      %add3A_322 = arith.addf %add3A_312, %mul3A_321 : vector<16xf32>
      %mul3A_323 = arith.mulf %gather3A_318, %gather3A_318 : vector<16xf32>
      %add3A_324 = arith.addf %add3A_314, %mul3A_323 : vector<16xf32>
      %broadcast_in_dim3A_325 = arith.constant 15 : i32
      %broadcast_in_dim3A_326 = vector.broadcast %broadcast_in_dim3A_325 : i32 to vector<16xi32>
      %gather3A_327 = tpu.vector_load_idx %arg9[%add3A_170, %broadcast_in_dim3A_326] : memref<512x16xf32, #tpu.memory_space<vmem>>[vector<16xi32>, vector<16xi32>], vector<16xf32>,
      %gather3A_328 = tpu.vector_load_idx %arg10[%add3A_170, %broadcast_in_dim3A_326] : memref<512x16xf32, #tpu.memory_space<vmem>>[vector<16xi32>, vector<16xi32>], vector<16xf32>,
      %mul3A_329 = arith.mulf %gather3A_327, %gather3A_328 : vector<16xf32>
      %add3A_330 = arith.addf %add3A_320, %mul3A_329 : vector<16xf32>
      %mul3A_331 = arith.mulf %gather3A_327, %gather3A_327 : vector<16xf32>
      %add3A_332 = arith.addf %add3A_322, %mul3A_331 : vector<16xf32>
      %mul3A_333 = arith.mulf %gather3A_328, %gather3A_328 : vector<16xf32>
      %add3A_334 = arith.addf %add3A_324, %mul3A_333 : vector<16xf32>
      %mul3A_335 = arith.mulf %add3A_332, %add3A_334 : vector<16xf32>
      %bitcast_convert_type3A = tpu.bitcast %mul3A_335 : vector<16xf32> -> vector<16xi32>
      %shift_right_arithmetic3A = arith.constant 1 : i32
      %shift_right_arithmetic3A_336 = vector.broadcast %shift_right_arithmetic3A : i32 to vector<16xi32>
      %shift_right_arithmetic3A_337 = arith.shrsi %bitcast_convert_type3A, %shift_right_arithmetic3A_336 : vector<16xi32>
      %sub3A = arith.constant 1597463007 : i32
      %sub3A_338 = vector.broadcast %sub3A : i32 to vector<16xi32>
      %sub3A_339 = arith.subi %sub3A_338, %shift_right_arithmetic3A_337 : vector<16xi32>
      %bitcast_convert_type3A_340 = tpu.bitcast %sub3A_339 : vector<16xi32> -> vector<16xf32>
      %mul3A_341 = arith.constant 5.000000e-01 : f32
      %mul3A_342 = vector.broadcast %mul3A_341 : f32 to vector<16xf32>
      %mul3A_343 = arith.mulf %mul3A_342, %mul3A_335 : vector<16xf32>
      %mul3A_344 = arith.mulf %mul3A_343, %bitcast_convert_type3A_340 : vector<16xf32>
      %mul3A_345 = arith.mulf %mul3A_344, %bitcast_convert_type3A_340 : vector<16xf32>
      %sub3A_346 = arith.constant 1.500000e+00 : f32
      %sub3A_347 = vector.broadcast %sub3A_346 : f32 to vector<16xf32>
      %sub3A_348 = arith.subf %sub3A_347, %mul3A_345 : vector<16xf32>
      %mul3A_349 = arith.mulf %bitcast_convert_type3A_340, %sub3A_348 : vector<16xf32>
      %mul3A_350 = arith.constant 5.000000e-01 : f32
      %mul3A_351 = vector.broadcast %mul3A_350 : f32 to vector<16xf32>
      %mul3A_352 = arith.mulf %mul3A_351, %mul3A_335 : vector<16xf32>
      %mul3A_353 = arith.mulf %mul3A_352, %mul3A_349 : vector<16xf32>
      %mul3A_354 = arith.mulf %mul3A_353, %mul3A_349 : vector<16xf32>
      %sub3A_355 = arith.constant 1.500000e+00 : f32
      %sub3A_356 = vector.broadcast %sub3A_355 : f32 to vector<16xf32>
      %sub3A_357 = arith.subf %sub3A_356, %mul3A_354 : vector<16xf32>
      %mul3A_358 = arith.mulf %mul3A_349, %sub3A_357 : vector<16xf32>
      %mul3A_359 = arith.constant 5.000000e-01 : f32
      %mul3A_360 = vector.broadcast %mul3A_359 : f32 to vector<16xf32>
      %mul3A_361 = arith.mulf %mul3A_360, %mul3A_335 : vector<16xf32>
      %mul3A_362 = arith.mulf %mul3A_361, %mul3A_358 : vector<16xf32>
      %mul3A_363 = arith.mulf %mul3A_362, %mul3A_358 : vector<16xf32>
      %sub3A_364 = arith.constant 1.500000e+00 : f32
      %sub3A_365 = vector.broadcast %sub3A_364 : f32 to vector<16xf32>
      %sub3A_366 = arith.subf %sub3A_365, %mul3A_363 : vector<16xf32>
      %mul3A_367 = arith.mulf %mul3A_358, %sub3A_366 : vector<16xf32>
      %mul3A_368 = arith.mulf %add3A_330, %mul3A_367 : vector<16xf32>
      %mul3A_369 = arith.constant 16 : i32
      %mul3A_370 = arith.muli %scan3A_166, %mul3A_369 : i32
      %swap3A = arith.index_cast %mul3A_370 : i32 to index
      %swap3A_371 = tpu.vector_load %arg11[%swap3A] {strides = array<i32>} : memref<512xf32, #tpu.memory_space<vmem>>, vector<16xf32>,
      tpu.vector_store %arg11[%swap3A], %mul3A_368 {strides = array<i32>} : memref<512xf32, #tpu.memory_space<vmem>>, vector<16xf32>,
    }
    %scan3A_165 = arith.constant 32 : i32
    "tpu.region"() ({
      %run_scoped3A = tpu.sem_alloc : memref<!tpu.dma_semaphore, #tpu.memory_space<semaphore_mem>>
      %dma_start3A_166 = tpu.memref_slice %arg6[%mul3A_2] : memref<16384xf32, #tpu.memory_space<hbm>> -> memref<512xf32, #tpu.memory_space<hbm>>
      %dma_start3A_167 = tpu.memref_slice %arg6[%mul3A_2] : memref<16384xf32, #tpu.memory_space<hbm>> -> memref<512xf32, #tpu.memory_space<hbm>>
      tpu.enqueue_dma source(%arg11 : memref<512xf32, #tpu.memory_space<vmem>>) target(%dma_start3A_167 : memref<512xf32, #tpu.memory_space<hbm>>) target_semaphore(%run_scoped3A : memref<!tpu.dma_semaphore, #tpu.memory_space<semaphore_mem>>)
      %dma_wait3A_168 = tpu.memref_slice %arg6[%mul3A_2] : memref<16384xf32, #tpu.memory_space<hbm>> -> memref<512xf32, #tpu.memory_space<hbm>>
      %dma_wait3A_169 = tpu.memref_slice %arg6[%mul3A_2] : memref<16384xf32, #tpu.memory_space<hbm>> -> memref<512xf32, #tpu.memory_space<hbm>>
      tpu.wait_dma2 semaphore(%run_scoped3A : memref<!tpu.dma_semaphore, #tpu.memory_space<semaphore_mem>>) src(%arg11 : memref<512xf32, #tpu.memory_space<vmem>>) dst(%dma_wait3A_169 : memref<512xf32, #tpu.memory_space<hbm>>)
      tpu.yield
    }) : () -> ()
    return
  }
}

</mosaic_0001>

<sc_bundles>
// kernel: kernel.3.cloned.1.call-start
scs
__scs_entry_jumppad:
0x0: {  	(pc) =	sbr.rel $0x88, $3  }
0x1: {  	(tag) =	ssettag $0x0;
	lr =	simm.s32 $0x1  }
0x2: {  	[smem:$0x3F9D] =	sst lr;
	_ =	strace $0xD0000000  }
0x3: {  	_ = 	snop  }
0x4: {  	_ = 	snop  }
0x5: {  	_ = 	snop  }
0x6: {  	_ = 	snop  }
0x7: {  	_ = 	snop  }
__scs_overlays_trampoline_lowered:
0x8: {  	[smem:$0x3FAC] =	sst s0  }
0x9: {  	[smem:$0x3FAD] =	sst s1  }
0xa: {  	[smem:$0x3FAE] =	sst s2  }
0xb: {  	[smem:$0x3FAF] =	sst s3  }
0xc: {  	[smem:$0x3FB0] =	sst s4  }
0xd: {  	[smem:$0x3FB1] =	sst s5  }
0xe: {  	[smem:$0x3FB2] =	sst s6  }
0xf: {  	[smem:$0x3FB3] =	sst s7  }
0x10: {  	[smem:$0x3FB4] =	sst s8  }
0x11: {  	[smem:$0x3FB5] =	sst s9;
	s0 =	simm.s32 @!p0 $0x0  }
0x12: {  	s1 =	sld [smem:$0x3F9B];
	s0 =	simm.s32 @p0 $0x1  }
0x13: {  	[smem:$0x3FB6] =	sst s0;
	s0 =	simm.s32 @!p1 $0x0  }
0x14: {  	s2 =	sld [smem:$0x3F9A];
	s0 =	simm.s32 @p1 $0x1  }
0x15: {  	[smem:$0x3FB7] =	sst s0;
	s0 =	simm.s32 @!p2 $0x0  }
0x16: {  	s3 =	sld [smem:$0x3FDB];
	s0 =	simm.s32 @p2 $0x1  }
0x17: {  	s4 =	simm.s32 $0x1BF5;
	[smem:$0x3FB9] =	sst s0  }
0x18: {  	s0 =	sld [smem:$0x3F9C];
	_ =	swait.ge [sflag:s4], $0x0  }
0x19: {  	s7 =	sld [smem:$0x3F9D]  }
0x1a: {  	s8 =	sadd.s32 $0xFFFFE003, lr  }
0x1b: {  	s9 =	sadd.s32 $0xFFFFFEF7, lr;
	s5 =	simm.s32 $0xFFFFFFFF;
	p2 =	slt.u32 s8, $0xFFFFF086  }
0x1c: {  	p1 =	slt.u32 s9, $0xF7A;
	s5 =	simm.s32 @!p2 $0x0  }
0x1d: {  	s5 =	simm.s32 @p1 $0x1;
	p0 =	seq.s32 s7, s2  }
0x1e: {  	s7 =	smul.u32 @!p0 $0xF7A, s2;
	p2 =	seq.s32 @!p0 s5, $0x0  }
0x1f: {  	s9 =	smul.u32 $0xF7A, s1;
	s8 =	simm.s32 @!p0 $0x1BF5;
	p2 =	por !p2, p0  }
0x20: {  	[sflag:s8] =	ssyncset.s32 @!p0 $0xFFFFF086;
	s6 =	sadd.s32 @!p0 s3, s7;
	s7 =	simm.s32 @!p0 $0x108  }
0x21: {  	s3 =	sadd.s32 s3, s9;
	s6 =	sadd.s32 @!p0 $0x88, s6;
	s7 =	simm.s32 @p2 $0x1082  }
0x22: {  	[simem:s7], [sflag:s8] =	dma.local @!p0 [hbm:s6], $0xF7A  }
0x23: {  	s9 =	sor.u32 $0xD0000000, s2;
	s6 =	simm.s32 $0x108;
	_ =	swait.ge @!p0 [sflag:s8], $0x0  }
0x24: {  	s3 =	sadd.s32 $0x88, s3;
	s6 =	simm.s32 @!p1 $0x1082;
	[sflag:s4] =	ssyncset.s32 $0xFFFFF086  }
0x25: {  	[simem:s6], [sflag:s4] =	dma.local [hbm:s3], $0xF7A  }
0x26: {  	[smem:$0x3F9D] =	sst s1;
	(tag) =	ssettag s2;
	_ =	strace s9  }
0x27: {  	s1 =	sld [smem:$0x3FAD]  }
0x28: {  	s2 =	sld [smem:$0x3FAE]  }
0x29: {  	s4 =	sld [smem:$0x3FB0]  }
0x2a: {  	p0 =	seq.s32 s5, $0x0;
	s5 =	sld [smem:$0x3FB1]  }
0x2b: {  	s6 =	sld [smem:$0x3FB2]  }
0x2c: {  	s7 =	sld [smem:$0x3FB3]  }
0x2d: {  	s3 =	simm.s32 $0x108;
	s8 =	sld [smem:$0x3FB4]  }
0x2e: {  	s3 =	simm.s32 @!p0 $0x1082;
	s9 =	sld [smem:$0x3FB5]  }
0x2f: {  	lr =	sadd.s32 s0, s3;
	s0 =	sld [smem:$0x3FAC]  }
0x30: {  	s3 =	sld [smem:$0x3FAF]  }
0x31: {  	[smem:$0x3FB8] =	sst s10  }
0x32: {  	s10 =	sld [smem:$0x3FB6];
	_ =	sdelay $0x3  }
0x33: {  	p0 =	seq.s32 s10, $0x1;
	s10 =	sld [smem:$0x3FB8];
	_ =	sdelay $0x3  }
0x34: {  	[smem:$0x3FB8] =	sst s10  }
0x35: {  	s10 =	sld [smem:$0x3FB7];
	_ =	sdelay $0x3  }
0x36: {  	p1 =	seq.s32 s10, $0x1;
	s10 =	sld [smem:$0x3FB8];
	_ =	sdelay $0x3  }
0x37: {  	[smem:$0x3FB8] =	sst s10  }
0x38: {  	s10 =	sld [smem:$0x3FB9]  }
0x39: {  	_ = 	snop;
	(pc) =	sbr.ind lr, $3  }
0x3a: {  	_ = 	snop  }
0x3b: {  	_ = 	snop  }
0x3c: {  	p2 =	seq.s32 s10, $0x1;
	s10 =	sld [smem:$0x3FB8]  }
0x3d: {  	_ =	shalt  }
0x3e: {  	_ =	shalt  }
0x3f: {  	_ =	shalt  }
0x40: {  	_ =	shalt  }
0x41: {  	_ =	shalt  }
0x42: {  	_ =	shalt  }
0x43: {  	_ =	shalt  }
0x44: {  	_ =	shalt  }
0x45: {  	_ =	shalt  }
0x46: {  	_ =	shalt  }
0x47: {  	_ =	shalt  }
0x48: {  	_ =	shalt  }
0x49: {  	_ =	shalt  }
0x4a: {  	_ =	shalt  }
0x4b: {  	_ =	shalt  }
0x4c: {  	_ =	shalt  }
0x4d: {  	_ =	shalt  }
0x4e: {  	_ =	shalt  }
0x4f: {  	_ =	shalt  }
0x50: {  	_ =	shalt  }
0x51: {  	_ =	shalt  }
0x52: {  	_ =	shalt  }
0x53: {  	_ =	shalt  }
0x54: {  	_ =	shalt  }
0x55: {  	_ =	shalt  }
0x56: {  	_ =	shalt  }
0x57: {  	_ =	shalt  }
0x58: {  	_ =	shalt  }
0x59: {  	_ =	shalt  }
0x5a: {  	_ =	shalt  }
0x5b: {  	_ =	shalt  }
0x5c: {  	_ =	shalt  }
0x5d: {  	_ =	shalt  }
0x5e: {  	_ =	shalt  }
0x5f: {  	_ =	shalt  }
0x60: {  	_ =	shalt  }
0x61: {  	_ =	shalt  }
0x62: {  	_ =	shalt  }
0x63: {  	_ =	shalt  }
0x64: {  	_ =	shalt  }
0x65: {  	_ =	shalt  }
0x66: {  	_ =	shalt  }
0x67: {  	_ =	shalt  }
0x68: {  	_ =	shalt  }
0x69: {  	_ =	shalt  }
0x6a: {  	_ =	shalt  }
0x6b: {  	_ =	shalt  }
0x6c: {  	_ =	shalt  }
0x6d: {  	_ =	shalt  }
0x6e: {  	_ =	shalt  }
0x6f: {  	_ =	shalt  }
0x70: {  	_ =	shalt  }
0x71: {  	_ =	shalt  }
0x72: {  	_ =	shalt  }
0x73: {  	_ =	shalt  }
0x74: {  	_ =	shalt  }
0x75: {  	_ =	shalt  }
0x76: {  	_ =	shalt  }
0x77: {  	_ =	shalt  }
0x78: {  	_ =	shalt  }
0x79: {  	_ =	shalt  }
0x7a: {  	_ =	shalt  }
0x7b: {  	_ =	shalt  }
0x7c: {  	_ =	shalt  }
0x7d: {  	_ =	shalt  }
0x7e: {  	_ =	shalt  }
0x7f: {  	_ =	shalt  }
0x80: {  	_ =	shalt  }
0x81: {  	_ =	shalt  }
0x82: {  	_ =	shalt  }
0x83: {  	_ =	shalt  }
0x84: {  	_ =	shalt  }
0x85: {  	_ =	shalt  }
0x86: {  	_ =	shalt  }
0x87: {  	_ =	shalt  }
.Lfunc_end0:
.L_simem_size_0:
called_computation_lowered:
.L_overlay_start_0:
0x88: {  	s2 =	sld [smem:$0x3FD9]  }
0x89: {  	s3 =	sld [smem:$0x3FFE];
	_ =	sdelay $0x1  }
0x8a: {  	s1 =	srdreg.scid  }
0x8b: {  	s0 =	sand.u32 $0x1, s1  }
0x8c: {  	s17 =	sshll.u32 s0, $0xA;
	s2 =	sadd.s32 s3, s2  }
0x8d: {  	s2 =	sadd.s32 s2, s17  }
0x8e: {  	[smem:$0x3FC4] =	sst s2  }
0x8f: {  	_ = 	snop  }
0x90: {  	s2 =	sld [smem:$0x3FC9]  }
0x91: {  	s18 =	sld [smem:$0x3FC8]  }
0x92: {  	s4 =	sld [smem:$0x3FD0];
	(tm) =	ssettm $0x1  }
0x93: {  	s5 =	sld [smem:$0x3FFB];
	_ =	sdelay $0x3  }
0x94: {  	_ =	strace s5  }
0x95: {  	s5 =	sld [smem:$0x3FFC];
	_ =	sdelay $0x3  }
0x96: {  	_ =	strace s5  }
0x97: {  	s5 =	sld [smem:$0x3FFD];
	_ =	sdelay $0x3  }
0x98: {  	_ =	strace s5  }
0x99: {  	_ =	strace $0x8FFFFFFF  }
0x9a: {  	s19 =	sld [smem:$0x3FDB];
	_ =	sdelay $0x1  }
0x9b: {  	s6 =	simm.s32 $_scs_section_size  }
0x9c: {  	s7 =	simm.s32 $_size__tile_overlayer_lowered;
	s8 =	simm.s32 $_tile_overlayer_lowered  }
0x9d: {  	s22 =	simm.s32 $0x1BFF;
	s21 =	sshll.u32 s8, $0x1;
	s5 =	sadd.s32 s6, s19  }
0x9e: {  	s9 =	simm.s32 $0x0;
	s20 =	sshll.u32 s7, $0x1;
	s7 =	sadd.s32 s21, s5  }
0x9f: {  	[timem:s9], [sflag:s22] =	dma.local [hbm:s7], s20  }
0xa0: {  	_ =	swait.ge [sflag:s22], s20  }
0xa1: {  	s6 =	ssub.s32 $0x0, s20;
	[sflag:s22] =	ssyncset.done $0x0  }
0xa2: {  	[sflag:s22] =	ssyncadd.s32 s6;
	_ =	sdelay $0x1  }
0xa3: {  	s23 =	simm.s32 $0x1B8B  }
0xa4: {  	_ =	swait.ge [sflag:s23], $0x1  }
0xa5: {  	[sflag:s23] =	ssyncset.done $0x0  }
0xa6: {  	s25 =	simm.s32 $0x1B8E;
	s24 =	sld [smem:$0x3FFE];
	[sflag:s23] =	ssyncadd.s32 $0xFFFFFFFF  }
0xa7: {  	s26 =	simm.s32 $execute0_lowered;
	[smem:$0x3FD2] =	sst s25  }
0xa8: {  	s7 =	sshll.u32 s26, $0x1;
	_ =	strace $0x80000046;
	[dreg:$0x1] =	wrdreg $0xFFFFFFFF  }
0xa9: {  	s28 =	simm.s32 $_size_execute0_lowered;
	s5 =	sadd.s32 s5, s7;
	[dreg:$0x0] =	wrdreg $0x0  }
0xaa: {  	s7 =	sshll.u32 s28, $0x1;
	[dreg:$0x2] =	wrdreg s5  }
0xab: {  	[dreg:$0x3] =	wrdreg s7  }
0xac: {  	[dreg:$0x4] =	wrdreg $0xC0  }
0xad: {  	_ =	task [dreg:s9], $0x5FFFF  }
0xae: {  	[dreg:$0x1] =	wrdreg $0xFFFFFFFF  }
0xaf: {  	[dreg:$0x0] =	wrdreg $0x60  }
0xb0: {  	[dreg:$0x2] =	wrdreg s2  }
0xb1: {  	[dreg:$0x3] =	wrdreg s18  }
0xb2: {  	[dreg:$0x4] =	wrdreg s24  }
0xb3: {  	[dreg:$0x5] =	wrdreg s4  }
0xb4: {  	[dreg:$0x6] =	wrdreg $0x9  }
0xb5: {  	_ =	task.clear_ibuf [dreg:s9], $0x7FFFF;
	_ =	strace $0x90000046  }
0xb6: {  	s29 =	simm.s32 $0x9;
	_ =	strace $0x80000048  }
0xb7: {  	_ =	swait.ge [sflag:s29], $0x1  }
0xb8: {  	[sflag:s29] =	ssyncadd.s32 $0xFFFFFFFF  }
0xb9: {  	_ =	strace $0x90000048  }
0xba: {  	_ =	sfence  }
0xbb: {  	s30 =	sld [smem:$0x0];
	_ =	sdelay $0x2  }
0xbc: {  	s31 =	sshll.u32 s1, $0xD;
	s1 =	sshrl.u32 s1, $0x2  }
0xbd: {  	s3 =	sand.u32 $0x4000, s31;
	s1 =	sadd.s32 s1, s30  }
0xbe: {  	s0 =	sor.u32 s3, s0;
	s1 =	sshll.u32 s1, $0x11  }
0xbf: {  	s0 =	sor.u32 s1, s0  }
0xc0: {  	s0 =	sadd.s32 $0x8F2B, s0  }
0xc1: {  	[sflag:s0] =	ssyncadd.remote.s32 $0x1  }
0xc2: {  	_ =	sfence.sel $0xFFFF  }
0xc3: {  	[dreg:$0x0] =	wrdreg $0xFFFFFFFF;
	(pc) =	sbr.abs _section_cstart, $3  }
0xc4: {  	[dreg:$0x1] =	wrdreg $0xFFFFFFFF  }
0xc5: {  	_ =	task.clear_ibuf [dreg:s9], $0x2FFFF;
	_ =	strace $0x9FFFFFFF  }
0xc6: {  	(tm) =	ssettm $0x7FFFFFFF  }
0xc7: {  	_ =	shalt  }
tec
execute0_lowered:
.L_overlay_start_1:
0x0: {  	(tag) =	ssettag $0x1  }
0x1: {  	s0 =	rddreg [dreg:$0x0]  }
0x2: {  	s6 =	rddreg [dreg:$0x1]  }
0x3: {  	s4 =	rddreg [dreg:$0x2]  }
0x4: {  	s7 =	rddreg [dreg:$0x3];
	s1 =	simm.s32 $0x0  }
0x5: {  	s5 =	srdreg.scid;
	s2 =	stileid.u32;
	s11 =	simm.s32 $0x80  }
0x6: {  	s12 =	simm.s32 $0x400;
	s13 =	simm.s32 $0x2400;
	s14 =	simm.s32 $0xC00  }
0x7: {  	s15 =	simm.s32 $0x280;
	s16 =	simm.s32 $0x2C00;
	s17 =	simm.s32 $0x100  }
0x8: {  	s18 =	simm.s32 $0x1400;
	s19 =	simm.s32 $0x300;
	s20 =	simm.s32 $0x3400  }
0x9: {  	s21 =	simm.s32 $0x180;
	s22 =	simm.s32 $0x1C00;
	s23 =	simm.s32 $0x380  }
0xa: {  	s24 =	simm.s32 $0x3C00;
	s25 =	simm.s32 $0x1;
	s26 =	simm.s32 $0x4400  }
0xb: {  	s28 =	simm.s32 $0x0;
	[smem:$0x7FF] =	sst s1;
	s5 =	sand.u32 $0x1, s5  }
0xc: {  	s3 =	sadd.s32 $0xF42800, s4;
	s9 =	sshll.u32 s2, $0x7;
	s8 =	ssub.s32 $0x2, s5  }
0xd: {  	s4 =	sadd.s32 $0x112AE00, s4;
	s5 =	sshll.u32 s5, $0x6;
	s10 =	sshrl.u32 s8, $0x1  }
0xe: {  	_ =	strace $0x80000047;
	s9 =	sor.u32 s5, s9;
	s8 =	ssub.s32 s8, s10  }
0xf: {  	v0 =	vlaneseq.u32;
	s5 =	sadd.s32 s0, s9;
	s6 =	sadd.s32 s6, s9;
	s7 =	sadd.s32 s7, s9  }
0x10: {  	v0 =	vmul.u32 $0x10, v0;
	s9 =	simm.s32 $0x2;
	s10 =	simm.s32 $0x200;
	s8 =	smax.u32 s8, $0x1  }
.LBB2_1:
0x11: {  	[tilespmem:s1], [sflag:$0x2] =	stream.linear.gather [hbm4b:s5+s1], $0x200, $0x38;
	[tilespmem:$0x4600] =	vst v63  }
0x12: {  	_ =	swait.ge [sflag:s9], $0x200  }
0x13: {  	[sflag:s9] =	ssyncset.done $0x0  }
0x14: {  	[sflag:s9] =	ssyncadd.s32 $0xFFFFFE00  }
0x15: {  	[tilespmem:s10], [sflag:$0x2] =	stream.linear.gather [hbm4b:s6+s1], $0x200, $0x38;
	[tilespmem:$0x4600] =	vst v63  }
0x16: {  	_ =	swait.ge [sflag:s9], $0x200  }
0x17: {  	[sflag:s9] =	ssyncset.done $0x0  }
0x18: {  	[sflag:s9] =	ssyncadd.s32 $0xFFFFFE00  }
0x19: {  	[tilespmem:s12], [sflag:$0x1] =	stream.indirect.gather [hbm4b:s3+s11], $0x10, s1, s11, $0xb8;
	[tilespmem:$0x4600] =	vst v63  }
0x1a: {  	_ = 	snop  }
0x1b: {  	[tilespmem:s13], [sflag:$0x1] =	stream.indirect.gather [hbm4b:s4+s11], $0x10, s10, s11, $0xb8;
	[tilespmem:$0x4600] =	vst v63  }
0x1c: {  	_ = 	snop  }
0x1d: {  	[tilespmem:s14], [sflag:$0x1] =	stream.indirect.gather [hbm4b:s3+s11], $0x10, s11, s11, $0xb8;
	[tilespmem:$0x4600] =	vst v63  }
0x1e: {  	_ = 	snop  }
0x1f: {  	[tilespmem:s16], [sflag:$0x1] =	stream.indirect.gather [hbm4b:s4+s11], $0x10, s15, s11, $0xb8;
	[tilespmem:$0x4600] =	vst v63  }
0x20: {  	_ = 	snop  }
0x21: {  	[tilespmem:s18], [sflag:$0x1] =	stream.indirect.gather [hbm4b:s3+s11], $0x10, s17, s11, $0xb8;
	[tilespmem:$0x4600] =	vst v63  }
0x22: {  	_ = 	snop  }
0x23: {  	[tilespmem:s20], [sflag:$0x1] =	stream.indirect.gather [hbm4b:s4+s11], $0x10, s19, s11, $0xb8;
	[tilespmem:$0x4600] =	vst v63  }
0x24: {  	_ = 	snop  }
0x25: {  	[tilespmem:s22], [sflag:$0x1] =	stream.indirect.gather [hbm4b:s3+s11], $0x10, s21, s11, $0xb8;
	[tilespmem:$0x4600] =	vst v63  }
0x26: {  	_ = 	snop  }
0x27: {  	[tilespmem:s24], [sflag:$0x1] =	stream.indirect.gather [hbm4b:s4+s11], $0x10, s23, s11, $0xb8;
	[tilespmem:$0x4600] =	vst v63  }
0x28: {  	_ =	swait.ge [sflag:s25], $0x800  }
0x29: {  	[sflag:s25] =	ssyncset.done $0x0  }
0x2a: {  	[sflag:s25] =	ssyncadd.s32 $0xFFFFF800  }
0x2b: {  	_ =	swait.ge [sflag:s25], $0x800  }
0x2c: {  	[sflag:s25] =	ssyncset.done $0x0  }
0x2d: {  	[sflag:s25] =	ssyncadd.s32 $0xFFFFF800  }
0x2e: {  	_ =	swait.ge [sflag:s25], $0x800  }
0x2f: {  	[sflag:s25] =	ssyncset.done $0x0  }
0x30: {  	[sflag:s25] =	ssyncadd.s32 $0xFFFFF800  }
0x31: {  	_ =	swait.ge [sflag:s25], $0x800  }
0x32: {  	[sflag:s25] =	ssyncset.done $0x0  }
0x33: {  	[sflag:s25] =	ssyncadd.s32 $0xFFFFF800  }
0x34: {  	_ =	swait.ge [sflag:s25], $0x800  }
0x35: {  	[sflag:s25] =	ssyncset.done $0x0  }
0x36: {  	[sflag:s25] =	ssyncadd.s32 $0xFFFFF800  }
0x37: {  	_ =	swait.ge [sflag:s25], $0x800  }
0x38: {  	[sflag:s25] =	ssyncset.done $0x0  }
0x39: {  	v1 =	vmov s1;
	[sflag:s25] =	ssyncadd.s32 $0xFFFFF800  }
0x3a: {  	v1 =	vshll.u32 v1, $0x4;
	_ =	swait.ge [sflag:s25], $0x800  }
0x3b: {  	v1 =	vor.u32 v0, v1;
	[sflag:s25] =	ssyncset.done $0x0  }
0x3c: {  	[sflag:s25] =	ssyncadd.s32 $0xFFFFF800  }
0x3d: {  	v2 =	vor.u32 $0x1, v1;
	_ =	swait.ge [sflag:s25], $0x800  }
0x3e: {  	[sflag:s25] =	ssyncset.done $0x0  }
0x3f: {  	v3 =	vor.u32 $0x2, v1;
	[sflag:s25] =	ssyncadd.s32 $0xFFFFF800  }
0x40: {  	v4 =	vld.idx.msk [tilespmem:v1+s12+$0x0], $0xffff  }
0x41: {  	v6 =	vor.u32 $0x3, v1;
	v5 =	vld.idx.msk [tilespmem:v1+s13+$0x0], $0xffff  }
0x42: {  	v7 =	vld.idx.msk [tilespmem:v2+s12+$0x0], $0xffff  }
0x43: {  	v8 =	vor.u32 $0x4, v1;
	v2 =	vld.idx.msk [tilespmem:v2+s13+$0x0], $0xffff  }
0x44: {  	v10 =	vor.u32 $0xE, v1;
	v11 =	vor.u32 $0xF, v1;
	v12 =	vor.u32 $0x5, v1;
	v9 =	vld.idx.msk [tilespmem:v3+s12+$0x0], $0xffff  }
0x45: {  	v13 =	vor.u32 $0xC, v1;
	v14 =	vor.u32 $0xD, v1;
	v15 =	vor.u32 $0x9, v1;
	v3 =	vld.idx.msk [tilespmem:v3+s13+$0x0], $0xffff  }
0x46: {  	v17 =	vor.u32 $0xA, v1;
	v18 =	vor.u32 $0xB, v1;
	v16 =	vld.idx.msk [tilespmem:v6+s12+$0x0], $0xffff;
	v19 =	vmul.f32 v5, v4  }
0x47: {  	v20 =	vor.u32 $0x6, v1;
	v6 =	vld.idx.msk [tilespmem:v6+s13+$0x0], $0xffff;
	v4 =	vmul.f32 v4, v4;
	v21 =	vmul.f32 v7, v7  }
0x48: {  	v22 =	vor.u32 $0x8, v1;
	v23 =	vld.idx.msk [tilespmem:v8+s12+$0x0], $0xffff;
	v5 =	vmul.f32 v5, v5;
	v24 =	vmul.f32 v2, v2  }
0x49: {  	v1 =	vor.u32 $0x7, v1;
	v8 =	vld.idx.msk [tilespmem:v8+s13+$0x0], $0xffff;
	v36 =	vmul.f32 v9, v9;
	v4 =	vadd.f32 v21, v4  }
0x4a: {  	v2 =	vmul.f32 v2, v7;
	v7 =	vld.idx.msk [tilespmem:v12+s12+$0x0], $0xffff;
	v37 =	vmul.f32 v3, v3;
	v5 =	vadd.f32 v24, v5  }
0x4b: {  	v12 =	vld.idx.msk [tilespmem:v12+s13+$0x0], $0xffff;
	v38 =	vmul.f32 v16, v16;
	v19 =	vadd.f32 $0.0e+00, v19;
	v4 =	vadd.f32 v36, v4  }
0x4c: {  	v39 =	vld.idx.msk [tilespmem:v20+s12+$0x0], $0xffff;
	v3 =	vmul.f32 v3, v9;
	v40 =	vmul.f32 v6, v6;
	v5 =	vadd.f32 v37, v5  }
0x4d: {  	v41 =	vld.idx.msk [tilespmem:v20+s13+$0x0], $0xffff;
	v42 =	vmul.f32 v23, v23;
	v2 =	vadd.f32 v2, v19;
	v4 =	vadd.f32 v38, v4  }
0x4e: {  	v6 =	vmul.f32 v6, v16;
	v43 =	vld.idx.msk [tilespmem:v1+s12+$0x0], $0xffff;
	v44 =	vmul.f32 v8, v8;
	v5 =	vadd.f32 v40, v5  }
0x4f: {  	v1 =	vld.idx.msk [tilespmem:v1+s13+$0x0], $0xffff;
	v2 =	vadd.f32 v3, v2;
	v3 =	vadd.f32 v42, v4;
	v4 =	vmul.f32 v7, v7  }
0x50: {  	v45 =	vld.idx.msk [tilespmem:v22+s12+$0x0], $0xffff;
	v8 =	vmul.f32 v8, v23;
	v46 =	vmul.f32 v12, v12;
	v5 =	vadd.f32 v44, v5  }
0x51: {  	v2 =	vadd.f32 v6, v2;
	v6 =	vld.idx.msk [tilespmem:v22+s13+$0x0], $0xffff;
	v3 =	vadd.f32 v4, v3;
	v4 =	vmul.f32 v39, v39  }
0x52: {  	v47 =	vld.idx.msk [tilespmem:v15+s12+$0x0], $0xffff;
	v48 =	vmul.f32 v41, v41;
	v7 =	vmul.f32 v12, v7;
	v5 =	vadd.f32 v46, v5  }
0x53: {  	v2 =	vadd.f32 v8, v2;
	v8 =	vld.idx.msk [tilespmem:v15+s13+$0x0], $0xffff;
	v3 =	vadd.f32 v4, v3;
	v4 =	vmul.f32 v43, v43  }
0x54: {  	v49 =	vld.idx.msk [tilespmem:v17+s12+$0x0], $0xffff;
	v9 =	vmul.f32 v41, v39;
	v50 =	vmul.f32 v1, v1;
	v5 =	vadd.f32 v48, v5  }
0x55: {  	v2 =	vadd.f32 v7, v2;
	v7 =	vld.idx.msk [tilespmem:v17+s13+$0x0], $0xffff;
	v3 =	vadd.f32 v4, v3;
	v4 =	vmul.f32 v45, v45  }
0x56: {  	v51 =	vld.idx.msk [tilespmem:v18+s12+$0x0], $0xffff;
	v1 =	vmul.f32 v1, v43;
	v52 =	vmul.f32 v6, v6;
	v5 =	vadd.f32 v50, v5  }
0x57: {  	v53 =	vld.idx.msk [tilespmem:v18+s13+$0x0], $0xffff;
	v2 =	vadd.f32 v9, v2;
	v3 =	vadd.f32 v4, v3;
	v4 =	vmul.f32 v47, v47  }
0x58: {  	v54 =	vld.idx.msk [tilespmem:v13+s12+$0x0], $0xffff;
	v6 =	vmul.f32 v6, v45;
	v55 =	vmul.f32 v8, v8;
	v5 =	vadd.f32 v52, v5  }
0x59: {  	v1 =	vadd.f32 v1, v2;
	v2 =	vld.idx.msk [tilespmem:v13+s13+$0x0], $0xffff;
	v3 =	vadd.f32 v4, v3;
	v4 =	vmul.f32 v49, v49  }
0x5a: {  	v56 =	vld.idx.msk [tilespmem:v14+s12+$0x0], $0xffff;
	v8 =	vmul.f32 v8, v47;
	v57 =	vmul.f32 v7, v7;
	v5 =	vadd.f32 v55, v5  }
0x5b: {  	v1 =	vadd.f32 v6, v1;
	v6 =	vld.idx.msk [tilespmem:v14+s13+$0x0], $0xffff;
	v3 =	vadd.f32 v4, v3;
	v4 =	vmul.f32 v51, v51  }
0x5c: {  	v58 =	vld.idx.msk [tilespmem:v10+s12+$0x0], $0xffff;
	v59 =	vmul.f32 v53, v53;
	v7 =	vmul.f32 v7, v49;
	v5 =	vadd.f32 v57, v5  }
0x5d: {  	v1 =	vadd.f32 v8, v1;
	v8 =	vld.idx.msk [tilespmem:v10+s13+$0x0], $0xffff;
	v3 =	vadd.f32 v4, v3;
	v4 =	vmul.f32 v54, v54  }
0x5e: {  	v60 =	vld.idx.msk [tilespmem:v11+s13+$0x0], $0xffff;
	v9 =	vmul.f32 v53, v51;
	v61 =	vmul.f32 v2, v2;
	v5 =	vadd.f32 v59, v5  }
0x5f: {  	v1 =	vadd.f32 v7, v1;
	v7 =	vld.idx.msk [tilespmem:v11+s12+$0x0], $0xffff;
	v3 =	vadd.f32 v4, v3;
	v4 =	vmul.f32 v56, v56  }
0x60: {  	v2 =	vmul.f32 v2, v54;
	v62 =	vmul.f32 v6, v6;
	v5 =	vadd.f32 v61, v5  }
0x61: {  	v1 =	vadd.f32 v9, v1;
	v3 =	vadd.f32 v4, v3;
	v4 =	vmul.f32 v58, v58  }
0x62: {  	v63 =	vmul.f32 v8, v8;
	v5 =	vadd.f32 v62, v5  }
0x63: {  	v6 =	vmul.f32 v6, v56;
	v1 =	vadd.f32 v2, v1;
	v2 =	vadd.f32 v4, v3  }
0x64: {  	s0 =	simm.s32 $0x10;
	v3 =	vadd.f32 v63, v5;
	v4 =	vmul.f32 v7, v7;
	v5 =	vmul.f32 v60, v60  }
0x65: {  	v8 =	vmul.f32 v8, v58;
	v1 =	vadd.f32 v6, v1;
	v6 =	vmov s0  }
0x66: {  	v6 =	vshll.u32 v6, $0x4;
	v2 =	vadd.f32 v4, v2;
	v3 =	vadd.f32 v5, v3  }
0x67: {  	v4 =	vadd.f32 v8, v1;
	v5 =	vmul.f32 v60, v7;
	v1 =	vor.u32 v0, v6  }
0x68: {  	s31 =	simm.s32 $0x20;
	s29 =	simm.s32 $0x4400;
	s30 =	simm.s32 $0x4400;
	v6 =	vmul.f32 v3, v2;
	v2 =	vor.u32 $0x1, v1;
	v3 =	vor.u32 $0x2, v1  }
.LBB2_2:
0x69: {  	p0 =	sne.s32 s31, $0x1F0  }
0x6a: {  	v7 =	vshra.s32 v6, $0x1;
	v6 =	vmul.f32 $5.000000000e-01, v6;
	s29 =	sadd.s32 $0x10, s29;
	s0 =	smov.u32 s31;
	s31 =	sadd.s32 $0x10, s31  }
0x6b: {  	v7 =	vsub.s32 $0x5F3759DF, v7  }
0x6c: {  	v8 =	vmul.f32 v7, v6;
	_ =	sdelay $0x1  }
0x6d: {  	v8 =	vmul.f32 v7, v8;
	_ =	sdelay $0x1  }
0x6e: {  	v8 =	vsub.f32 $1.500000000e+00, v8;
	_ =	sdelay $0x1  }
0x6f: {  	v7 =	vmul.f32 v7, v8;
	_ =	sdelay $0x1  }
0x70: {  	v8 =	vmul.f32 v7, v6;
	_ =	sdelay $0x1  }
0x71: {  	v8 =	vmul.f32 v8, v7;
	_ =	sdelay $0x1  }
0x72: {  	v8 =	vsub.f32 $1.500000000e+00, v8;
	_ =	sdelay $0x1  }
0x73: {  	v7 =	vmul.f32 v8, v7;
	_ =	sdelay $0x1  }
0x74: {  	v6 =	vmul.f32 v7, v6;
	_ =	sdelay $0x1  }
0x75: {  	v6 =	vmul.f32 v6, v7;
	_ =	sdelay $0x1  }
0x76: {  	v6 =	vsub.f32 $1.500000000e+00, v6;
	_ =	sdelay $0x1  }
0x77: {  	v4 =	vadd.f32 v5, v4;
	v5 =	vmul.f32 v6, v7;
	_ =	sdelay $0x1  }
0x78: {  	v4 =	vmul.f32 v5, v4;
	_ =	sdelay $0x1  }
0x79: {  	[tilespmem:s30+$0x0] =	vst v4;
	s30 =	smov.u32 s29  }
0x7a: {  	v4 =	vld.idx.msk [tilespmem:v1+s12+$0x0], $0xffff  }
0x7b: {  	v6 =	vor.u32 $0x3, v1;
	v5 =	vld.idx.msk [tilespmem:v1+s13+$0x0], $0xffff  }
0x7c: {  	v7 =	vld.idx.msk [tilespmem:v2+s12+$0x0], $0xffff  }
0x7d: {  	v9 =	vor.u32 $0x4, v1;
	v8 =	vld.idx.msk [tilespmem:v2+s13+$0x0], $0xffff  }
0x7e: {  	v11 =	vor.u32 $0xE, v1;
	v2 =	vor.u32 $0xF, v1;
	v10 =	vld.idx.msk [tilespmem:v3+s12+$0x0], $0xffff  }
0x7f: {  	v12 =	vor.u32 $0x5, v1;
	v13 =	vor.u32 $0xC, v1;
	v14 =	vor.u32 $0xD, v1;
	v3 =	vld.idx.msk [tilespmem:v3+s13+$0x0], $0xffff  }
0x80: {  	v16 =	vor.u32 $0x9, v1;
	v17 =	vor.u32 $0xA, v1;
	v18 =	vor.u32 $0xB, v1;
	v15 =	vld.idx.msk [tilespmem:v6+s12+$0x0], $0xffff  }
0x81: {  	v20 =	vor.u32 $0x6, v1;
	v21 =	vor.u32 $0x8, v1;
	v19 =	vmul.f32 v5, v4;
	v6 =	vld.idx.msk [tilespmem:v6+s13+$0x0], $0xffff  }
0x82: {  	v1 =	vor.u32 $0x7, v1;
	v4 =	vmul.f32 v4, v4;
	v22 =	vmul.f32 v7, v7;
	v23 =	vld.idx.msk [tilespmem:v9+s12+$0x0], $0xffff  }
0x83: {  	v5 =	vmul.f32 v5, v5;
	v19 =	vadd.f32 $0.0e+00, v19;
	v24 =	vmul.f32 v8, v8;
	v9 =	vld.idx.msk [tilespmem:v9+s13+$0x0], $0xffff  }
0x84: {  	v7 =	vmul.f32 v8, v7;
	v4 =	vadd.f32 v22, v4;
	v8 =	vmul.f32 v10, v10;
	v22 =	vld.idx.msk [tilespmem:v12+s12+$0x0], $0xffff  }
0x85: {  	v5 =	vadd.f32 v24, v5;
	v10 =	vmul.f32 v3, v10;
	v3 =	vmul.f32 v3, v3;
	v12 =	vld.idx.msk [tilespmem:v12+s13+$0x0], $0xffff  }
0x86: {  	v7 =	vadd.f32 v7, v19;
	v4 =	vadd.f32 v8, v4;
	v8 =	vmul.f32 v15, v15;
	v19 =	vld.idx.msk [tilespmem:v20+s12+$0x0], $0xffff  }
0x87: {  	v3 =	vadd.f32 v3, v5;
	v5 =	vmul.f32 v6, v15;
	v6 =	vmul.f32 v6, v6;
	v15 =	vld.idx.msk [tilespmem:v20+s13+$0x0], $0xffff  }
0x88: {  	v7 =	vadd.f32 v10, v7;
	v4 =	vadd.f32 v8, v4;
	v8 =	vmul.f32 v23, v23;
	v10 =	vld.idx.msk [tilespmem:v1+s12+$0x0], $0xffff  }
0x89: {  	v3 =	vadd.f32 v6, v3;
	v6 =	vmul.f32 v9, v23;
	v9 =	vmul.f32 v9, v9;
	v1 =	vld.idx.msk [tilespmem:v1+s13+$0x0], $0xffff  }
0x8a: {  	v5 =	vadd.f32 v5, v7;
	v4 =	vadd.f32 v8, v4;
	v7 =	vmul.f32 v22, v22;
	v8 =	vld.idx.msk [tilespmem:v21+s12+$0x0], $0xffff  }
0x8b: {  	v3 =	vadd.f32 v9, v3;
	v9 =	vmul.f32 v12, v22;
	v12 =	vmul.f32 v12, v12;
	v20 =	vld.idx.msk [tilespmem:v21+s13+$0x0], $0xffff  }
0x8c: {  	v5 =	vadd.f32 v6, v5;
	v4 =	vadd.f32 v7, v4;
	v6 =	vmul.f32 v19, v19;
	v7 =	vld.idx.msk [tilespmem:v16+s12+$0x0], $0xffff  }
0x8d: {  	v3 =	vadd.f32 v12, v3;
	v12 =	vmul.f32 v15, v19;
	v15 =	vmul.f32 v15, v15;
	v16 =	vld.idx.msk [tilespmem:v16+s13+$0x0], $0xffff  }
0x8e: {  	v5 =	vadd.f32 v9, v5;
	v4 =	vadd.f32 v6, v4;
	v6 =	vmul.f32 v10, v10;
	v9 =	vld.idx.msk [tilespmem:v17+s12+$0x0], $0xffff  }
0x8f: {  	v3 =	vadd.f32 v15, v3;
	v10 =	vmul.f32 v1, v10;
	v1 =	vmul.f32 v1, v1;
	v15 =	vld.idx.msk [tilespmem:v17+s13+$0x0], $0xffff  }
0x90: {  	v5 =	vadd.f32 v12, v5;
	v4 =	vadd.f32 v6, v4;
	v6 =	vmul.f32 v8, v8;
	v12 =	vld.idx.msk [tilespmem:v18+s12+$0x0], $0xffff  }
0x91: {  	v1 =	vadd.f32 v1, v3;
	v3 =	vmul.f32 v20, v8;
	v8 =	vmul.f32 v20, v20;
	v17 =	vld.idx.msk [tilespmem:v18+s13+$0x0], $0xffff  }
0x92: {  	v5 =	vadd.f32 v10, v5;
	v4 =	vadd.f32 v6, v4;
	v6 =	vmul.f32 v7, v7;
	v10 =	vld.idx.msk [tilespmem:v13+s12+$0x0], $0xffff  }
0x93: {  	v1 =	vadd.f32 v8, v1;
	v7 =	vmul.f32 v16, v7;
	v8 =	vmul.f32 v16, v16;
	v13 =	vld.idx.msk [tilespmem:v13+s13+$0x0], $0xffff  }
0x94: {  	v3 =	vadd.f32 v3, v5;
	v4 =	vadd.f32 v6, v4;
	v5 =	vmul.f32 v9, v9;
	v6 =	vld.idx.msk [tilespmem:v14+s12+$0x0], $0xffff  }
0x95: {  	v1 =	vadd.f32 v8, v1;
	v8 =	vmul.f32 v15, v9;
	v9 =	vmul.f32 v15, v15;
	v14 =	vld.idx.msk [tilespmem:v14+s13+$0x0], $0xffff  }
0x96: {  	v3 =	vadd.f32 v7, v3;
	v4 =	vadd.f32 v5, v4;
	v5 =	vmul.f32 v12, v12;
	v7 =	vld.idx.msk [tilespmem:v11+s12+$0x0], $0xffff  }
0x97: {  	v1 =	vadd.f32 v9, v1;
	v9 =	vmul.f32 v17, v12;
	v12 =	vmul.f32 v17, v17;
	v11 =	vld.idx.msk [tilespmem:v11+s13+$0x0], $0xffff  }
0x98: {  	v3 =	vadd.f32 v8, v3;
	v4 =	vadd.f32 v5, v4;
	v5 =	vmul.f32 v10, v10;
	v8 =	vld.idx.msk [tilespmem:v2+s13+$0x0], $0xffff  }
0x99: {  	v1 =	vadd.f32 v12, v1;
	v10 =	vmul.f32 v13, v10;
	v12 =	vmul.f32 v13, v13;
	v2 =	vld.idx.msk [tilespmem:v2+s12+$0x0], $0xffff  }
0x9a: {  	v3 =	vadd.f32 v9, v3;
	v4 =	vadd.f32 v5, v4;
	v5 =	vmul.f32 v6, v6  }
0x9b: {  	v1 =	vadd.f32 v12, v1;
	v6 =	vmul.f32 v14, v6;
	v9 =	vmul.f32 v14, v14  }
0x9c: {  	v3 =	vadd.f32 v10, v3;
	v4 =	vadd.f32 v5, v4;
	v5 =	vmul.f32 v7, v7  }
0x9d: {  	v1 =	vadd.f32 v9, v1;
	v7 =	vmul.f32 v11, v7;
	v9 =	vmul.f32 v11, v11  }
0x9e: {  	v3 =	vadd.f32 v6, v3;
	v6 =	vadd.f32 v5, v4  }
0x9f: {  	v10 =	vmul.f32 v8, v8;
	v1 =	vadd.f32 v9, v1;
	v9 =	vmul.f32 v2, v2  }
.Ltmp0:
0xa0: {  	v4 =	vadd.f32 v7, v3;
	v5 =	vmul.f32 v8, v2;
	(pc) =	sbr.rel @p0 .LBB2_2-.Ltmp0, $4  }
0xa1: {  	v2 =	vmov s0;
	v3 =	vadd.f32 v9, v6;
	v6 =	vadd.f32 v10, v1  }
0xa2: {  	v1 =	vshll.u32 v2, $0x4  }
0xa3: {  	v1 =	vor.u32 v0, v1;
	v6 =	vmul.f32 v6, v3  }
0xa4: {  	v2 =	vor.u32 $0x1, v1;
	v3 =	vor.u32 $0x2, v1  }
0xa5: {  	v7 =	vshra.s32 v6, $0x1;
	v39 =	vmul.f32 $5.000000000e-01, v6  }
0xa6: {  	v7 =	vsub.s32 $0x5F3759DF, v7  }
0xa7: {  	v8 =	vmul.f32 v7, v39;
	_ =	sdelay $0x1  }
0xa8: {  	v8 =	vmul.f32 v7, v8;
	_ =	sdelay $0x1  }
0xa9: {  	v8 =	vsub.f32 $1.500000000e+00, v8;
	_ =	sdelay $0x1  }
0xaa: {  	v7 =	vmul.f32 v7, v8;
	_ =	sdelay $0x1  }
0xab: {  	v8 =	vmul.f32 v7, v39;
	_ =	sdelay $0x1  }
0xac: {  	v8 =	vmul.f32 v8, v7;
	_ =	sdelay $0x1  }
0xad: {  	v8 =	vsub.f32 $1.500000000e+00, v8;
	_ =	sdelay $0x1  }
0xae: {  	v7 =	vmul.f32 v8, v7;
	_ =	sdelay $0x1  }
0xaf: {  	v6 =	vmul.f32 v7, v39;
	_ =	sdelay $0x1  }
0xb0: {  	v6 =	vmul.f32 v6, v7;
	_ =	sdelay $0x1  }
0xb1: {  	v6 =	vsub.f32 $1.500000000e+00, v6;
	_ =	sdelay $0x1  }
0xb2: {  	v4 =	vadd.f32 v5, v4;
	v40 =	vmul.f32 v6, v7;
	_ =	sdelay $0x1  }
0xb3: {  	v4 =	vmul.f32 v40, v4;
	_ =	sdelay $0x1  }
0xb4: {  	[tilespmem:s30+$0x0] =	vst v4  }
0xb5: {  	v4 =	vld.idx.msk [tilespmem:v1+s12+$0x0], $0xffff  }
0xb6: {  	v41 =	vor.u32 $0x3, v1;
	v5 =	vld.idx.msk [tilespmem:v1+s13+$0x0], $0xffff  }
0xb7: {  	v7 =	vld.idx.msk [tilespmem:v2+s12+$0x0], $0xffff  }
0xb8: {  	v42 =	vor.u32 $0x4, v1;
	v2 =	vld.idx.msk [tilespmem:v2+s13+$0x0], $0xffff  }
0xb9: {  	v9 =	vld.idx.msk [tilespmem:v3+s12+$0x0], $0xffff  }
0xba: {  	v10 =	vor.u32 $0x5, v1;
	v3 =	vld.idx.msk [tilespmem:v3+s13+$0x0], $0xffff  }
0xbb: {  	v11 =	vld.idx.msk [tilespmem:v41+s12+$0x0], $0xffff  }
0xbc: {  	v12 =	vor.u32 $0x6, v1;
	v6 =	vld.idx.msk [tilespmem:v41+s13+$0x0], $0xffff  }
0xbd: {  	v15 =	vld.idx.msk [tilespmem:v42+s12+$0x0], $0xffff;
	v13 =	vmul.f32 v4, v4;
	v14 =	vmul.f32 v7, v7  }
0xbe: {  	v18 =	vor.u32 $0x7, v1;
	v8 =	vld.idx.msk [tilespmem:v42+s13+$0x0], $0xffff;
	v16 =	vmul.f32 v5, v5;
	v17 =	vmul.f32 v2, v2  }
0xbf: {  	v20 =	vor.u32 $0x8, v1;
	v19 =	vld.idx.msk [tilespmem:v10+s12+$0x0], $0xffff;
	v43 =	vmul.f32 v9, v9  }
0xc0: {  	v10 =	vld.idx.msk [tilespmem:v10+s13+$0x0], $0xffff;
	v44 =	vmul.f32 v3, v3;
	v13 =	vadd.f32 v14, v13;
	v16 =	vadd.f32 v17, v16  }
0xc1: {  	v22 =	vor.u32 $0x9, v1;
	v21 =	vld.idx.msk [tilespmem:v12+s12+$0x0], $0xffff;
	v45 =	vmul.f32 v11, v11  }
0xc2: {  	v12 =	vld.idx.msk [tilespmem:v12+s13+$0x0], $0xffff;
	v46 =	vmul.f32 v6, v6;
	v13 =	vadd.f32 v43, v13;
	v16 =	vadd.f32 v44, v16  }
0xc3: {  	v24 =	vor.u32 $0xA, v1;
	v23 =	vld.idx.msk [tilespmem:v18+s12+$0x0], $0xffff;
	v47 =	vmul.f32 v15, v15  }
0xc4: {  	v18 =	vld.idx.msk [tilespmem:v18+s13+$0x0], $0xffff;
	v48 =	vmul.f32 v8, v8;
	v13 =	vadd.f32 v45, v13;
	v16 =	vadd.f32 v46, v16  }
0xc5: {  	v26 =	vor.u32 $0xB, v1;
	v25 =	vld.idx.msk [tilespmem:v20+s12+$0x0], $0xffff;
	v49 =	vmul.f32 v19, v19  }
0xc6: {  	v20 =	vld.idx.msk [tilespmem:v20+s13+$0x0], $0xffff;
	v50 =	vmul.f32 v10, v10;
	v13 =	vadd.f32 v47, v13;
	v16 =	vadd.f32 v48, v16  }
0xc7: {  	v28 =	vor.u32 $0xC, v1;
	v27 =	vld.idx.msk [tilespmem:v22+s12+$0x0], $0xffff;
	v51 =	vmul.f32 v21, v21  }
0xc8: {  	v22 =	vld.idx.msk [tilespmem:v22+s13+$0x0], $0xffff;
	v52 =	vmul.f32 v12, v12;
	v13 =	vadd.f32 v49, v13;
	v16 =	vadd.f32 v50, v16  }
0xc9: {  	v30 =	vor.u32 $0xD, v1;
	v29 =	vld.idx.msk [tilespmem:v24+s12+$0x0], $0xffff;
	v53 =	vmul.f32 v23, v23  }
0xca: {  	v24 =	vld.idx.msk [tilespmem:v24+s13+$0x0], $0xffff;
	v54 =	vmul.f32 v18, v18;
	v13 =	vadd.f32 v51, v13;
	v16 =	vadd.f32 v52, v16  }
0xcb: {  	v32 =	vor.u32 $0xE, v1;
	v31 =	vld.idx.msk [tilespmem:v26+s12+$0x0], $0xffff;
	v55 =	vmul.f32 v25, v25  }
0xcc: {  	v26 =	vld.idx.msk [tilespmem:v26+s13+$0x0], $0xffff;
	v56 =	vmul.f32 v20, v20;
	v13 =	vadd.f32 v53, v13;
	v16 =	vadd.f32 v54, v16  }
0xcd: {  	v33 =	vld.idx.msk [tilespmem:v28+s12+$0x0], $0xffff;
	v1 =	vor.u32 $0xF, v1;
	v57 =	vmul.f32 v27, v27  }
0xce: {  	v28 =	vld.idx.msk [tilespmem:v28+s13+$0x0], $0xffff;
	v58 =	vmul.f32 v22, v22;
	v13 =	vadd.f32 v55, v13;
	v16 =	vadd.f32 v56, v16  }
0xcf: {  	v34 =	vld.idx.msk [tilespmem:v30+s12+$0x0], $0xffff;
	v59 =	vmul.f32 v29, v29  }
0xd0: {  	v30 =	vld.idx.msk [tilespmem:v30+s13+$0x0], $0xffff;
	v60 =	vmul.f32 v24, v24;
	v13 =	vadd.f32 v57, v13;
	v16 =	vadd.f32 v58, v16  }
0xd1: {  	v35 =	vld.idx.msk [tilespmem:v32+s12+$0x0], $0xffff;
	v61 =	vmul.f32 v31, v31  }
0xd2: {  	v32 =	vld.idx.msk [tilespmem:v32+s13+$0x0], $0xffff;
	v62 =	vmul.f32 v26, v26;
	v13 =	vadd.f32 v59, v13;
	v16 =	vadd.f32 v60, v16  }
0xd3: {  	v63 =	vmul.f32 v33, v33;
	v36 =	vld.idx.msk [tilespmem:v1+s13+$0x0], $0xffff  }
0xd4: {  	v38 =	vmul.f32 v28, v28;
	v1 =	vld.idx.msk [tilespmem:v1+s12+$0x0], $0xffff;
	v13 =	vadd.f32 v61, v13;
	v16 =	vadd.f32 v62, v16  }
0xd5: {  	v39 =	vmul.f32 v34, v34  }
0xd6: {  	v40 =	vmul.f32 v30, v30;
	v13 =	vadd.f32 v63, v13;
	v16 =	vadd.f32 v38, v16  }
0xd7: {  	v4 =	vmul.f32 v5, v4;
	v42 =	vmul.f32 v35, v35  }
0xd8: {  	v44 =	vmul.f32 v32, v32;
	v41 =	vadd.f32 v39, v13;
	v43 =	vadd.f32 v40, v16  }
0xd9: {  	v2 =	vmul.f32 v2, v7;
	v4 =	vadd.f32 $0.0e+00, v4;
	v46 =	vmul.f32 v1, v1  }
0xda: {  	v47 =	vmul.f32 v36, v36;
	v5 =	vadd.f32 v42, v41;
	v45 =	vadd.f32 v44, v43  }
0xdb: {  	v3 =	vmul.f32 v3, v9;
	v2 =	vadd.f32 v2, v4  }
0xdc: {  	v48 =	vadd.f32 v46, v5;
	v49 =	vadd.f32 v47, v45  }
0xdd: {  	v6 =	vmul.f32 v6, v11;
	v2 =	vadd.f32 v3, v2  }
0xde: {  	v3 =	vmul.f32 v49, v48  }
0xdf: {  	v2 =	vadd.f32 v6, v2  }
0xe0: {  	v50 =	vmul.f32 v8, v15;
	v5 =	vshra.s32 v3, $0x1;
	v3 =	vmul.f32 $5.000000000e-01, v3  }
0xe1: {  	v5 =	vsub.s32 $0x5F3759DF, v5  }
0xe2: {  	v51 =	vmul.f32 v10, v19;
	v2 =	vadd.f32 v50, v2;
	v52 =	vmul.f32 v5, v3;
	_ =	sdelay $0x1  }
0xe3: {  	v53 =	vmul.f32 v12, v21;
	v2 =	vadd.f32 v51, v2;
	v4 =	vmul.f32 v5, v52;
	_ =	sdelay $0x1  }
0xe4: {  	v54 =	vmul.f32 v18, v23;
	v2 =	vadd.f32 v53, v2;
	v4 =	vsub.f32 $1.500000000e+00, v4;
	_ =	sdelay $0x1  }
0xe5: {  	v55 =	vmul.f32 v20, v25;
	v2 =	vadd.f32 v54, v2;
	v4 =	vmul.f32 v5, v4;
	_ =	sdelay $0x1  }
0xe6: {  	v56 =	vmul.f32 v22, v27;
	v2 =	vadd.f32 v55, v2;
	v57 =	vmul.f32 v4, v3;
	_ =	sdelay $0x1  }
0xe7: {  	v58 =	vmul.f32 v24, v29;
	v2 =	vadd.f32 v56, v2;
	v59 =	vmul.f32 v57, v4;
	_ =	sdelay $0x1  }
0xe8: {  	v60 =	vmul.f32 v26, v31;
	v2 =	vadd.f32 v58, v2;
	v5 =	vsub.f32 $1.500000000e+00, v59;
	_ =	sdelay $0x1  }
0xe9: {  	v61 =	vmul.f32 v28, v33;
	v2 =	vadd.f32 v60, v2;
	v4 =	vmul.f32 v5, v4;
	_ =	sdelay $0x1  }
0xea: {  	v62 =	vmul.f32 v30, v34;
	v2 =	vadd.f32 v61, v2;
	v3 =	vmul.f32 v4, v3;
	_ =	sdelay $0x1  }
0xeb: {  	v63 =	vmul.f32 v32, v35;
	v2 =	vadd.f32 v62, v2;
	v3 =	vmul.f32 v3, v4;
	_ =	sdelay $0x1  }
0xec: {  	v1 =	vmul.f32 v36, v1;
	v2 =	vadd.f32 v63, v2;
	v3 =	vsub.f32 $1.500000000e+00, v3;
	_ =	sdelay $0x1  }
0xed: {  	v1 =	vadd.f32 v1, v2;
	v2 =	vmul.f32 v3, v4;
	_ =	sdelay $0x1  }
0xee: {  	s28 =	sadd.s32 $0x1, s28;
	v1 =	vmul.f32 v2, v1  }
0xef: {  	s0 =	sadd.s32 $0x10, s29;
	p0 =	sne.s32 s28, s8  }
.Ltmp1:
0xf0: {  	[tilespmem:s0+$0x0] =	vst v1;
	(pc) =	sbr.rel @p0 .LBB2_1-.Ltmp1, $4  }
0xf1: {  	[hbm4b:s7+s1] =	stream.linear.scatter [tilespmem:s26], [sflag:$0x2], $0x200, $0x38;
	[tilespmem:$0x4600] =	vst v63  }
0xf2: {  	_ =	swait.ge [sflag:s9], $0x200  }
0xf3: {  	[sflag:s9] =	ssyncset.done $0x0  }
0xf4: {  	[sflag:s9] =	ssyncadd.s32 $0xFFFFFE00  }
0xf5: {  	_ =	sfence.sel $0x180000  }
0xf6: {  	[bflag:$0x0] =	sbarrier.arrive $0xFFFF  }
0xf7: {  	_ =	strace $0x90000047  }
0xf8: {  	[bflag:$0x2] =	sbarrier.arrive $0xFFFF  }
0xf9: {  	p0 =	sne.s32 s2, $0x0;
	s0 =	rddreg [dreg:$0x4]  }
0xfa: {  	s0 =	sadd.s32 @!p0 $0x100000, s0  }
0xfb: {  	[sflag:s0] =	ssyncadd.tile.s32 @!p0 $0x1;
	_ =	shalt  }
.Lfunc_end2:
_tile_overlayer_lowered:
.L_overlay_start_2:
0xfc: {  	(tag) =	ssettag $0x2  }
0xfd: {  	s0 =	rddreg [dreg:$0x0];
	s2 =	stileid.u32  }
0xfe: {  	s1 =	rddreg [dreg:$0x1];
	p0 =	sne.s32 s2, $0x0  }
0xff: {  	s3 =	rddreg [dreg:$0x2];
	[bflag:$0x3] =	sbarrier.arrive $0xFFFF;
	s2 =	simm.s32 @!p0 $0x1C02  }
0x100: {  	[timem:s3], [sflag:s2] =	dma.local @!p0 [hbm:s0], s1  }
0x101: {  	s0 =	simm.s32 @!p0 $0x2  }
0x102: {  	_ =	swait.ge @!p0 [sflag:s0], s1  }
0x103: {  	s1 =	ssub.s32 @!p0 $0x0, s1;
	[sflag:s0] =	ssyncset.done @!p0 $0x0  }
0x104: {  	[sflag:s0] =	ssyncadd.s32 @!p0 s1  }
0x105: {  	[bflag:$0x3] =	sbarrier.arrive $0xFFFF  }
0x106: {  	_ =	shalt  }

</sc_bundles>
